<compile_context>
chip_gen: v7x
topology: tpu7x:2x2x1
jax: 0.10.2.dev20260603
libtpu: 0.0.44.dev20260713+nightly
codegen_flags: <defaults>
</compile_context>

<pallas_src>
import functools

import jax
import jax.numpy as jnp
from jax import lax
from jax.experimental import pallas as pl
from jax.experimental.pallas import tpu as pltpu
from jax.experimental.pallas import tpu_sc as plsc

N = 50000
E = 800000
PE = 8
B = 64
EV = 8
OUT = 16

NC = 2
NS = 16
NW = NC * NS
CH = 128
CPW = 196
EW = CPW * CH
EPAD = NW * EW


def _mtable_body(lam_ref, we1_ref, be1_ref, we2_ref, be2_ref, we3_ref,
                 be3_ref, wr8_ref, m_ref):
    lam = lam_ref[:, :]
    h = jnp.maximum(lam * we1_ref[:, :] + be1_ref[:, :], 0.0)
    h = jnp.maximum(
        jnp.dot(h, we2_ref[:, :], preferred_element_type=jnp.float32)
        + be2_ref[:, :], 0.0)
    lamf = (jnp.dot(h, we3_ref[:, :], preferred_element_type=jnp.float32)
            + be3_ref[:, :])
    m_ref[:, :] = jnp.dot(lamf, wr8_ref[:, :],
                          preferred_element_type=jnp.float32)


def _mtable(Lambda, We1, be1, We2, be2, We3, be3, Wr):
    lam_col = Lambda.reshape(B * PE, 1)
    wr8 = Wr[:EV, :]
    return pl.pallas_call(
        _mtable_body,
        out_shape=jax.ShapeDtypeStruct((B * PE, OUT), jnp.float32),
    )(lam_col, We1, be1.reshape(1, 32), We2, be2.reshape(1, 32),
      We3, be3.reshape(1, EV), wr8)


def _sc_body(src_h, dst_h, xb_h, m_h, br_h, out_h,
             src_v, dst_v, xs_v, xd_v, out_v, m_v, br_v, sem1, sem2):
    wid = lax.axis_index("s") * NC + lax.axis_index("c")
    pltpu.sync_copy(m_h, m_v)
    pltpu.sync_copy(br_h, br_v)
    brv = br_v[:]
    base0 = wid * EW

    def chunk_body(g, carry):
        base = pl.multiple_of(base0 + g * CH, CH)
        pltpu.sync_copy(src_h.at[pl.ds(base, CH)], src_v)
        pltpu.sync_copy(dst_h.at[pl.ds(base, CH)], dst_v)
        cp1 = pltpu.async_copy(xb_h.at[src_v], xs_v, sem1)
        cp2 = pltpu.async_copy(xb_h.at[dst_v], xd_v, sem2)
        cp1.wait()
        cp2.wait()

        def edge_body(e, c):
            xrow = xs_v[e, :]
            xdrow = xd_v[e, :]
            prod = xrow * xdrow
            mi = xrow[PE].astype(jnp.int32)
            acc = brv
            for pe in range(PE):
                acc = acc + prod[pe] * m_v[mi + pe]
            out_v[e, :] = acc
            return c

        lax.fori_loop(0, CH, edge_body, 0, unroll=2)
        pltpu.sync_copy(out_v, out_h.at[pl.ds(base, CH)])
        return carry

    lax.fori_loop(0, CPW, chunk_body, 0)


_sc_kernel = functools.partial(
    pl.kernel,
    out_type=jax.ShapeDtypeStruct((EPAD, OUT), jnp.float32),
    mesh=plsc.VectorSubcoreMesh(core_axis_name="c", subcore_axis_name="s",
                                num_cores=NC, num_subcores=NS),
    compiler_params=pltpu.CompilerParams(use_tc_tiling_on_sc=False),
    scratch_types=[
        pltpu.VMEM((CH,), jnp.int32),
        pltpu.VMEM((CH,), jnp.int32),
        pltpu.VMEM((CH, 16), jnp.float32),
        pltpu.VMEM((CH, 16), jnp.float32),
        pltpu.VMEM((CH, OUT), jnp.float32),
        pltpu.VMEM((B * PE, OUT), jnp.float32),
        pltpu.VMEM((16,), jnp.float32),
        pltpu.SemaphoreType.DMA,
        pltpu.SemaphoreType.DMA,
    ],
)(_sc_body)


def kernel(x, Lambda, edge_index, batch, We1, be1, We2, be2, We3, be3, Wr, br):
    m = _mtable(Lambda, We1, be1, We2, be2, We3, be3, Wr)
    xb = jnp.concatenate(
        [x, (batch * PE).astype(jnp.float32)[:, None],
         jnp.zeros((N, 16 - PE - 1), jnp.float32)], axis=1)
    src = jnp.pad(edge_index[0], (0, EPAD - E))
    dst = jnp.pad(edge_index[1], (0, EPAD - E))
    out = _sc_kernel(src, dst, xb, m, br)
    return out[:E]

# --- scband reference (transcript-rebuilt; emitter-appended) ---
"""Pipeline reference for scband-sparse-complex-network-58171037057285 (READ-ONLY COPY).

The authoritative reference and input builder live on the scoring server;
editing this copy changes nothing except your own understanding.
"""

import jax, jax.numpy as jnp
import numpy as np

N = 50000
E = 800000
PE = 8
QD = 1
B = 64
EV = 8
OUT = 16


def _mlp(x, W1, b1, W2, b2, W3, b3):
    h = jax.nn.relu(jnp.matmul(x, W1) + b1)
    h = jax.nn.relu(jnp.matmul(h, W2) + b2)
    return jnp.matmul(h, W3) + b3


def setup_inputs(seed: int = 0):
    key = jax.random.key(seed)
    ks = jax.random.split(key, 10)
    x = jax.random.normal(ks[0], (N, PE), dtype=jnp.float32)
    Lambda = jax.random.normal(ks[1], (B, PE), dtype=jnp.float32)
    edge_index = jax.random.randint(ks[2], (2, E), 0, N, dtype=jnp.int32)
    batch = jnp.sort(jax.random.randint(ks[3], (N,), 0, B, dtype=jnp.int32))
    We1 = jax.random.normal(ks[4], (1, 32), dtype=jnp.float32) * 0.1
    be1 = jnp.zeros((32,), dtype=jnp.float32)
    We2 = jax.random.normal(ks[5], (32, 32), dtype=jnp.float32) * 0.1
    be2 = jnp.zeros((32,), dtype=jnp.float32)
    We3 = jax.random.normal(ks[6], (32, EV), dtype=jnp.float32) * 0.1
    be3 = jnp.zeros((EV,), dtype=jnp.float32)
    Wr = jax.random.normal(ks[7], (2 * QD * EV, OUT), dtype=jnp.float32) * 0.1
    br = jnp.zeros((OUT,), dtype=jnp.float32)
    return {"x": x, "Lambda": Lambda, "edge_index": edge_index, "batch": batch,
            "We1": We1, "be1": be1, "We2": We2, "be2": be2, "We3": We3, "be3": be3,
            "Wr": Wr, "br": br}


def reference(x, Lambda, edge_index, batch, We1, be1, We2, be2, We3, be3, Wr, br):
    # pe_type == 'lap': x -> [N, 1, PE] complex, Lambda -> [B, 1, PE]
    lam = Lambda[:, None, :, None]                     # [B, 1, PE, 1]
    lam = _mlp(lam, We1, be1, We2, be2, We3, be3)      # [B, 1, PE, EV] eigval encoder
    src = edge_index[0]
    dst = edge_index[1]
    weight = lam[batch[src]].astype(jnp.complex64)     # [E, 1, PE, EV]
    xc = x[:, None, :].astype(jnp.complex64)           # [N, 1, PE]
    # weighted_gram_matrix_sparse, x.ndim == 3 branch
    g = weight * xc[src][..., None] * jnp.conj(xc[dst])[..., None]  # [E, 1, PE, EV]
    g = g.sum(axis=2).reshape(E, -1)                   # [E, QD*EV]
    feat = jnp.concatenate([jnp.real(g), jnp.imag(g)], axis=-1)     # [E, 2*QD*EV]
    return jnp.matmul(feat, Wr) + br                   # [E, OUT]

if __name__ == "__main__":
    import jax
    _d = setup_inputs()
    print(jax.jit(kernel)(*tuple(_d.values())))

</pallas_src>

<mosaic_0001>
#map = affine_map<(d0, d1) -> (0)>
#map1 = affine_map<(d0, d1) -> (0, 0)>
module attributes {stable_mosaic.version = 14 : i64} {
  func.func @_sc_body(%arg0: i32, %arg1: i32, %arg2: memref<802816xi32, #tpu.memory_space<hbm>>, %arg3: memref<802816xi32, #tpu.memory_space<hbm>>, %arg4: memref<50000x16xf32, #tpu.memory_space<hbm>>, %arg5: memref<512x16xf32, #tpu.memory_space<hbm>>, %arg6: memref<16xf32, #tpu.memory_space<hbm>>, %arg7: memref<802816x16xf32, #tpu.memory_space<hbm>>, %arg8: memref<128xi32, #tpu.memory_space<vmem>>, %arg9: memref<128xi32, #tpu.memory_space<vmem>>, %arg10: memref<128x16xf32, #tpu.memory_space<vmem>>, %arg11: memref<128x16xf32, #tpu.memory_space<vmem>>, %arg12: memref<128x16xf32, #tpu.memory_space<vmem>>, %arg13: memref<512x16xf32, #tpu.memory_space<vmem>>, %arg14: memref<16xf32, #tpu.memory_space<vmem>>, %arg15: memref<!tpu.dma_semaphore, #tpu.memory_space<semaphore_mem>>, %arg16: memref<!tpu.dma_semaphore, #tpu.memory_space<semaphore_mem>>) attributes {dimension_semantics = [#tpu.dimension_semantics<core_parallel>, #tpu.dimension_semantics<subcore_parallel>], iteration_bounds = array<i64: 2, 16>, scalar_prefetch = 0 : i64, scratch_operands = 9 : i64, tpu.core_type = #tpu.core_type<sc_vector_subcore>, window_params = [{transform_indices = #map}, {transform_indices = #map}, {transform_indices = #map1}, {transform_indices = #map1}, {transform_indices = #map}, {transform_indices = #map1}]} {
    %mul3A = arith.constant 2 : i32
    %mul3A_0 = arith.muli %arg1, %mul3A : i32
    %add3A = arith.addi %mul3A_0, %arg0 : i32
    "tpu.region"() ({
      %run_scoped3A = tpu.sem_alloc : memref<!tpu.dma_semaphore, #tpu.memory_space<semaphore_mem>>
      tpu.enqueue_dma source(%arg5 : memref<512x16xf32, #tpu.memory_space<hbm>>) target(%arg13 : memref<512x16xf32, #tpu.memory_space<vmem>>) target_semaphore(%run_scoped3A : memref<!tpu.dma_semaphore, #tpu.memory_space<semaphore_mem>>)
      tpu.wait_dma2 semaphore(%run_scoped3A : memref<!tpu.dma_semaphore, #tpu.memory_space<semaphore_mem>>) src(%arg5 : memref<512x16xf32, #tpu.memory_space<hbm>>) dst(%arg13 : memref<512x16xf32, #tpu.memory_space<vmem>>)
      tpu.yield
    }) : () -> ()
    "tpu.region"() ({
      %run_scoped3A = tpu.sem_alloc : memref<!tpu.dma_semaphore, #tpu.memory_space<semaphore_mem>>
      tpu.enqueue_dma source(%arg6 : memref<16xf32, #tpu.memory_space<hbm>>) target(%arg14 : memref<16xf32, #tpu.memory_space<vmem>>) target_semaphore(%run_scoped3A : memref<!tpu.dma_semaphore, #tpu.memory_space<semaphore_mem>>)
      tpu.wait_dma2 semaphore(%run_scoped3A : memref<!tpu.dma_semaphore, #tpu.memory_space<semaphore_mem>>) src(%arg6 : memref<16xf32, #tpu.memory_space<hbm>>) dst(%arg14 : memref<16xf32, #tpu.memory_space<vmem>>)
      tpu.yield
    }) : () -> ()
    %get3A = arith.constant 0 : index
    %get3A_1 = tpu.vector_load %arg14[%get3A] {strides = array<i32>} : memref<16xf32, #tpu.memory_space<vmem>>, vector<16xf32>,
    %get3A_2 = vector.shape_cast %get3A_1 : vector<16xf32> to vector<16xf32>
    %mul3A_3 = arith.constant 25088 : i32
    %mul3A_4 = arith.muli %add3A, %mul3A_3 : i32
    %scan3A = arith.constant 0 : i32
    %scan3A_5 = arith.constant 0 : i32
    %scan3A_6 = arith.constant 196 : i32
    %scan3A_7 = arith.addi %scan3A_5, %scan3A_6 : i32
    %scan3A_8 = arith.constant 1 : i32
    scf.for %scan3A_10 = %scan3A_5 to %scan3A_7 step %scan3A_8  : i32 {
      %mul3A_11 = arith.constant 128 : i32
      %mul3A_12 = arith.muli %scan3A_10, %mul3A_11 : i32
      %add3A_13 = arith.addi %mul3A_4, %mul3A_12 : i32
      %multiple_of3A = tpu.assume_multiple %add3A_13, 128 : i32
      "tpu.region"() ({
        %run_scoped3A = tpu.sem_alloc : memref<!tpu.dma_semaphore, #tpu.memory_space<semaphore_mem>>
        %dma_start3A_30 = tpu.memref_slice %arg2[%multiple_of3A] : memref<802816xi32, #tpu.memory_space<hbm>> -> memref<128xi32, #tpu.memory_space<hbm>>
        %dma_start3A_31 = tpu.memref_slice %arg2[%multiple_of3A] : memref<802816xi32, #tpu.memory_space<hbm>> -> memref<128xi32, #tpu.memory_space<hbm>>
        tpu.enqueue_dma source(%dma_start3A_31 : memref<128xi32, #tpu.memory_space<hbm>>) target(%arg8 : memref<128xi32, #tpu.memory_space<vmem>>) target_semaphore(%run_scoped3A : memref<!tpu.dma_semaphore, #tpu.memory_space<semaphore_mem>>)
        %dma_wait3A_32 = tpu.memref_slice %arg2[%multiple_of3A] : memref<802816xi32, #tpu.memory_space<hbm>> -> memref<128xi32, #tpu.memory_space<hbm>>
        %dma_wait3A_33 = tpu.memref_slice %arg2[%multiple_of3A] : memref<802816xi32, #tpu.memory_space<hbm>> -> memref<128xi32, #tpu.memory_space<hbm>>
        tpu.wait_dma2 semaphore(%run_scoped3A : memref<!tpu.dma_semaphore, #tpu.memory_space<semaphore_mem>>) src(%dma_wait3A_33 : memref<128xi32, #tpu.memory_space<hbm>>) dst(%arg8 : memref<128xi32, #tpu.memory_space<vmem>>)
        tpu.yield
      }) : () -> ()
      "tpu.region"() ({
        %run_scoped3A = tpu.sem_alloc : memref<!tpu.dma_semaphore, #tpu.memory_space<semaphore_mem>>
        %dma_start3A_30 = tpu.memref_slice %arg3[%multiple_of3A] : memref<802816xi32, #tpu.memory_space<hbm>> -> memref<128xi32, #tpu.memory_space<hbm>>
        %dma_start3A_31 = tpu.memref_slice %arg3[%multiple_of3A] : memref<802816xi32, #tpu.memory_space<hbm>> -> memref<128xi32, #tpu.memory_space<hbm>>
        tpu.enqueue_dma source(%dma_start3A_31 : memref<128xi32, #tpu.memory_space<hbm>>) target(%arg9 : memref<128xi32, #tpu.memory_space<vmem>>) target_semaphore(%run_scoped3A : memref<!tpu.dma_semaphore, #tpu.memory_space<semaphore_mem>>)
        %dma_wait3A_32 = tpu.memref_slice %arg3[%multiple_of3A] : memref<802816xi32, #tpu.memory_space<hbm>> -> memref<128xi32, #tpu.memory_space<hbm>>
        %dma_wait3A_33 = tpu.memref_slice %arg3[%multiple_of3A] : memref<802816xi32, #tpu.memory_space<hbm>> -> memref<128xi32, #tpu.memory_space<hbm>>
        tpu.wait_dma2 semaphore(%run_scoped3A : memref<!tpu.dma_semaphore, #tpu.memory_space<semaphore_mem>>) src(%dma_wait3A_33 : memref<128xi32, #tpu.memory_space<hbm>>) dst(%arg9 : memref<128xi32, #tpu.memory_space<vmem>>)
        tpu.yield
      }) : () -> ()
      %dma_start3A = arith.constant 0 : i32
      %dma_start3A_14 = arith.constant 0 : i32
      %dma_start3A_15 = tpu.memref_slice %arg4[%dma_start3A, %dma_start3A_14] : memref<50000x16xf32, #tpu.memory_space<hbm>> -> memref<50000x16xf32, #tpu.memory_space<hbm>>
      tpu.enqueue_indirect_dma source(%dma_start3A_15 : memref<50000x16xf32, #tpu.memory_space<hbm>>) target(%arg10 : memref<128x16xf32, #tpu.memory_space<vmem>>) offsets(%arg8 : memref<128xi32, #tpu.memory_space<vmem>>) semaphore(%arg15 : memref<!tpu.dma_semaphore, #tpu.memory_space<semaphore_mem>>)
      %dma_start3A_16 = arith.constant 0 : i32
      %dma_start3A_17 = arith.constant 0 : i32
      %dma_start3A_18 = tpu.memref_slice %arg4[%dma_start3A_16, %dma_start3A_17] : memref<50000x16xf32, #tpu.memory_space<hbm>> -> memref<50000x16xf32, #tpu.memory_space<hbm>>
      tpu.enqueue_indirect_dma source(%dma_start3A_18 : memref<50000x16xf32, #tpu.memory_space<hbm>>) target(%arg11 : memref<128x16xf32, #tpu.memory_space<vmem>>) offsets(%arg9 : memref<128xi32, #tpu.memory_space<vmem>>) semaphore(%arg16 : memref<!tpu.dma_semaphore, #tpu.memory_space<semaphore_mem>>)
      %dma_wait3A = arith.constant 0 : i32
      %dma_wait3A_19 = arith.constant 0 : i32
      %dma_wait3A_20 = tpu.memref_slice %arg4[%dma_wait3A, %dma_wait3A_19] : memref<50000x16xf32, #tpu.memory_space<hbm>> -> memref<50000x16xf32, #tpu.memory_space<hbm>>
      tpu.wait_indirect_dma semaphore(%arg15 : memref<!tpu.dma_semaphore, #tpu.memory_space<semaphore_mem>>) src(%dma_wait3A_20 : memref<50000x16xf32, #tpu.memory_space<hbm>>) dst(%arg10 : memref<128x16xf32, #tpu.memory_space<vmem>>)
      %dma_wait3A_21 = arith.constant 0 : i32
      %dma_wait3A_22 = arith.constant 0 : i32
      %dma_wait3A_23 = tpu.memref_slice %arg4[%dma_wait3A_21, %dma_wait3A_22] : memref<50000x16xf32, #tpu.memory_space<hbm>> -> memref<50000x16xf32, #tpu.memory_space<hbm>>
      tpu.wait_indirect_dma semaphore(%arg16 : memref<!tpu.dma_semaphore, #tpu.memory_space<semaphore_mem>>) src(%dma_wait3A_23 : memref<50000x16xf32, #tpu.memory_space<hbm>>) dst(%arg11 : memref<128x16xf32, #tpu.memory_space<vmem>>)
      %scan3A_24 = arith.constant 0 : i32
      %scan3A_25 = arith.constant 0 : i32
      %scan3A_26 = arith.constant 128 : i32
      %scan3A_27 = arith.addi %scan3A_25, %scan3A_26 : i32
      %scan3A_28 = arith.constant 2 : i32
      scf.for %scan3A_30 = %scan3A_25 to %scan3A_27 step %scan3A_28  : i32 {
        %get3A_31 = arith.index_cast %scan3A_30 : i32 to index
        %get3A_32 = arith.constant 0 : index
        %get3A_33 = tpu.vector_load %arg10[%get3A_31, %get3A_32] {strides = array<i32>} : memref<128x16xf32, #tpu.memory_space<vmem>>, vector<1x16xf32>,
        %get3A_34 = vector.shape_cast %get3A_33 : vector<1x16xf32> to vector<16xf32>
        %get3A_35 = arith.index_cast %scan3A_30 : i32 to index
        %get3A_36 = arith.constant 0 : index
        %get3A_37 = tpu.vector_load %arg11[%get3A_35, %get3A_36] {strides = array<i32>} : memref<128x16xf32, #tpu.memory_space<vmem>>, vector<1x16xf32>,
        %get3A_38 = vector.shape_cast %get3A_37 : vector<1x16xf32> to vector<16xf32>
        %mul3A_39 = arith.mulf %get3A_34, %get3A_38 : vector<16xf32>
        %slice3A = vector.extract_strided_slice %get3A_34 {offsets = [8], sizes = [1], strides = [1]} : vector<16xf32> to vector<1xf32>
        %squeeze3A = vector.extract %slice3A[0] : f32 from vector<1xf32>
        %convert_element_type3A = arith.fptosi %squeeze3A : f32 to i32
        %slice3A_40 = vector.extract_strided_slice %mul3A_39 {offsets = [0], sizes = [1], strides = [1]} : vector<16xf32> to vector<1xf32>
        %squeeze3A_41 = vector.extract %slice3A_40[0] : f32 from vector<1xf32>
        %add3A_42 = arith.constant 0 : i32
        %add3A_43 = arith.addi %convert_element_type3A, %add3A_42 : i32
        %get3A_44 = arith.index_cast %add3A_43 : i32 to index
        %get3A_45 = arith.constant 0 : index
        %get3A_46 = tpu.vector_load %arg13[%get3A_44, %get3A_45] {strides = array<i32>} : memref<512x16xf32, #tpu.memory_space<vmem>>, vector<1x16xf32>,
        %get3A_47 = vector.shape_cast %get3A_46 : vector<1x16xf32> to vector<16xf32>
        %mul3A_48 = vector.broadcast %squeeze3A_41 : f32 to vector<16xf32>
        %mul3A_49 = arith.mulf %mul3A_48, %get3A_47 : vector<16xf32>
        %add3A_50 = arith.addf %get3A_2, %mul3A_49 : vector<16xf32>
        %slice3A_51 = vector.extract_strided_slice %mul3A_39 {offsets = [1], sizes = [1], strides = [1]} : vector<16xf32> to vector<1xf32>
        %squeeze3A_52 = vector.extract %slice3A_51[0] : f32 from vector<1xf32>
        %add3A_53 = arith.constant 1 : i32
        %add3A_54 = arith.addi %convert_element_type3A, %add3A_53 : i32
        %get3A_55 = arith.index_cast %add3A_54 : i32 to index
        %get3A_56 = arith.constant 0 : index
        %get3A_57 = tpu.vector_load %arg13[%get3A_55, %get3A_56] {strides = array<i32>} : memref<512x16xf32, #tpu.memory_space<vmem>>, vector<1x16xf32>,
        %get3A_58 = vector.shape_cast %get3A_57 : vector<1x16xf32> to vector<16xf32>
        %mul3A_59 = vector.broadcast %squeeze3A_52 : f32 to vector<16xf32>
        %mul3A_60 = arith.mulf %mul3A_59, %get3A_58 : vector<16xf32>
        %add3A_61 = arith.addf %add3A_50, %mul3A_60 : vector<16xf32>
        %slice3A_62 = vector.extract_strided_slice %mul3A_39 {offsets = [2], sizes = [1], strides = [1]} : vector<16xf32> to vector<1xf32>
        %squeeze3A_63 = vector.extract %slice3A_62[0] : f32 from vector<1xf32>
        %add3A_64 = arith.constant 2 : i32
        %add3A_65 = arith.addi %convert_element_type3A, %add3A_64 : i32
        %get3A_66 = arith.index_cast %add3A_65 : i32 to index
        %get3A_67 = arith.constant 0 : index
        %get3A_68 = tpu.vector_load %arg13[%get3A_66, %get3A_67] {strides = array<i32>} : memref<512x16xf32, #tpu.memory_space<vmem>>, vector<1x16xf32>,
        %get3A_69 = vector.shape_cast %get3A_68 : vector<1x16xf32> to vector<16xf32>
        %mul3A_70 = vector.broadcast %squeeze3A_63 : f32 to vector<16xf32>
        %mul3A_71 = arith.mulf %mul3A_70, %get3A_69 : vector<16xf32>
        %add3A_72 = arith.addf %add3A_61, %mul3A_71 : vector<16xf32>
        %slice3A_73 = vector.extract_strided_slice %mul3A_39 {offsets = [3], sizes = [1], strides = [1]} : vector<16xf32> to vector<1xf32>
        %squeeze3A_74 = vector.extract %slice3A_73[0] : f32 from vector<1xf32>
        %add3A_75 = arith.constant 3 : i32
        %add3A_76 = arith.addi %convert_element_type3A, %add3A_75 : i32
        %get3A_77 = arith.index_cast %add3A_76 : i32 to index
        %get3A_78 = arith.constant 0 : index
        %get3A_79 = tpu.vector_load %arg13[%get3A_77, %get3A_78] {strides = array<i32>} : memref<512x16xf32, #tpu.memory_space<vmem>>, vector<1x16xf32>,
        %get3A_80 = vector.shape_cast %get3A_79 : vector<1x16xf32> to vector<16xf32>
        %mul3A_81 = vector.broadcast %squeeze3A_74 : f32 to vector<16xf32>
        %mul3A_82 = arith.mulf %mul3A_81, %get3A_80 : vector<16xf32>
        %add3A_83 = arith.addf %add3A_72, %mul3A_82 : vector<16xf32>
        %slice3A_84 = vector.extract_strided_slice %mul3A_39 {offsets = [4], sizes = [1], strides = [1]} : vector<16xf32> to vector<1xf32>
        %squeeze3A_85 = vector.extract %slice3A_84[0] : f32 from vector<1xf32>
        %add3A_86 = arith.constant 4 : i32
        %add3A_87 = arith.addi %convert_element_type3A, %add3A_86 : i32
        %get3A_88 = arith.index_cast %add3A_87 : i32 to index
        %get3A_89 = arith.constant 0 : index
        %get3A_90 = tpu.vector_load %arg13[%get3A_88, %get3A_89] {strides = array<i32>} : memref<512x16xf32, #tpu.memory_space<vmem>>, vector<1x16xf32>,
        %get3A_91 = vector.shape_cast %get3A_90 : vector<1x16xf32> to vector<16xf32>
        %mul3A_92 = vector.broadcast %squeeze3A_85 : f32 to vector<16xf32>
        %mul3A_93 = arith.mulf %mul3A_92, %get3A_91 : vector<16xf32>
        %add3A_94 = arith.addf %add3A_83, %mul3A_93 : vector<16xf32>
        %slice3A_95 = vector.extract_strided_slice %mul3A_39 {offsets = [5], sizes = [1], strides = [1]} : vector<16xf32> to vector<1xf32>
        %squeeze3A_96 = vector.extract %slice3A_95[0] : f32 from vector<1xf32>
        %add3A_97 = arith.constant 5 : i32
        %add3A_98 = arith.addi %convert_element_type3A, %add3A_97 : i32
        %get3A_99 = arith.index_cast %add3A_98 : i32 to index
        %get3A_100 = arith.constant 0 : index
        %get3A_101 = tpu.vector_load %arg13[%get3A_99, %get3A_100] {strides = array<i32>} : memref<512x16xf32, #tpu.memory_space<vmem>>, vector<1x16xf32>,
        %get3A_102 = vector.shape_cast %get3A_101 : vector<1x16xf32> to vector<16xf32>
        %mul3A_103 = vector.broadcast %squeeze3A_96 : f32 to vector<16xf32>
        %mul3A_104 = arith.mulf %mul3A_103, %get3A_102 : vector<16xf32>
        %add3A_105 = arith.addf %add3A_94, %mul3A_104 : vector<16xf32>
        %slice3A_106 = vector.extract_strided_slice %mul3A_39 {offsets = [6], sizes = [1], strides = [1]} : vector<16xf32> to vector<1xf32>
        %squeeze3A_107 = vector.extract %slice3A_106[0] : f32 from vector<1xf32>
        %add3A_108 = arith.constant 6 : i32
        %add3A_109 = arith.addi %convert_element_type3A, %add3A_108 : i32
        %get3A_110 = arith.index_cast %add3A_109 : i32 to index
        %get3A_111 = arith.constant 0 : index
        %get3A_112 = tpu.vector_load %arg13[%get3A_110, %get3A_111] {strides = array<i32>} : memref<512x16xf32, #tpu.memory_space<vmem>>, vector<1x16xf32>,
        %get3A_113 = vector.shape_cast %get3A_112 : vector<1x16xf32> to vector<16xf32>
        %mul3A_114 = vector.broadcast %squeeze3A_107 : f32 to vector<16xf32>
        %mul3A_115 = arith.mulf %mul3A_114, %get3A_113 : vector<16xf32>
        %add3A_116 = arith.addf %add3A_105, %mul3A_115 : vector<16xf32>
        %slice3A_117 = vector.extract_strided_slice %mul3A_39 {offsets = [7], sizes = [1], strides = [1]} : vector<16xf32> to vector<1xf32>
        %squeeze3A_118 = vector.extract %slice3A_117[0] : f32 from vector<1xf32>
        %add3A_119 = arith.constant 7 : i32
        %add3A_120 = arith.addi %convert_element_type3A, %add3A_119 : i32
        %get3A_121 = arith.index_cast %add3A_120 : i32 to index
        %get3A_122 = arith.constant 0 : index
        %get3A_123 = tpu.vector_load %arg13[%get3A_121, %get3A_122] {strides = array<i32>} : memref<512x16xf32, #tpu.memory_space<vmem>>, vector<1x16xf32>,
        %get3A_124 = vector.shape_cast %get3A_123 : vector<1x16xf32> to vector<16xf32>
        %mul3A_125 = vector.broadcast %squeeze3A_118 : f32 to vector<16xf32>
        %mul3A_126 = arith.mulf %mul3A_125, %get3A_124 : vector<16xf32>
        %add3A_127 = arith.addf %add3A_116, %mul3A_126 : vector<16xf32>
        %swap3A = arith.index_cast %scan3A_30 : i32 to index
        %swap3A_128 = arith.constant 0 : index
        %swap3A_129 = tpu.vector_load %arg12[%swap3A, %swap3A_128] {strides = array<i32>} : memref<128x16xf32, #tpu.memory_space<vmem>>, vector<1x16xf32>,
        %swap3A_130 = vector.shape_cast %swap3A_129 : vector<1x16xf32> to vector<16xf32>
        %swap3A_131 = vector.shape_cast %add3A_127 : vector<16xf32> to vector<1x16xf32>
        tpu.vector_store %arg12[%swap3A, %swap3A_128], %swap3A_131 {strides = array<i32>} : memref<128x16xf32, #tpu.memory_space<vmem>>, vector<1x16xf32>,
        %scan3A_132 = arith.constant 1 : i32
        %scan3A_133 = arith.addi %scan3A_30, %scan3A_132 : i32
        %get3A_134 = arith.index_cast %scan3A_133 : i32 to index
        %get3A_135 = arith.constant 0 : index
        %get3A_136 = tpu.vector_load %arg10[%get3A_134, %get3A_135] {strides = array<i32>} : memref<128x16xf32, #tpu.memory_space<vmem>>, vector<1x16xf32>,
        %get3A_137 = vector.shape_cast %get3A_136 : vector<1x16xf32> to vector<16xf32>
        %get3A_138 = arith.index_cast %scan3A_133 : i32 to index
        %get3A_139 = arith.constant 0 : index
        %get3A_140 = tpu.vector_load %arg11[%get3A_138, %get3A_139] {strides = array<i32>} : memref<128x16xf32, #tpu.memory_space<vmem>>, vector<1x16xf32>,
        %get3A_141 = vector.shape_cast %get3A_140 : vector<1x16xf32> to vector<16xf32>
        %mul3A_142 = arith.mulf %get3A_137, %get3A_141 : vector<16xf32>
        %slice3A_143 = vector.extract_strided_slice %get3A_137 {offsets = [8], sizes = [1], strides = [1]} : vector<16xf32> to vector<1xf32>
        %squeeze3A_144 = vector.extract %slice3A_143[0] : f32 from vector<1xf32>
        %convert_element_type3A_145 = arith.fptosi %squeeze3A_144 : f32 to i32
        %slice3A_146 = vector.extract_strided_slice %mul3A_142 {offsets = [0], sizes = [1], strides = [1]} : vector<16xf32> to vector<1xf32>
        %squeeze3A_147 = vector.extract %slice3A_146[0] : f32 from vector<1xf32>
        %add3A_148 = arith.constant 0 : i32
        %add3A_149 = arith.addi %convert_element_type3A_145, %add3A_148 : i32
        %get3A_150 = arith.index_cast %add3A_149 : i32 to index
        %get3A_151 = arith.constant 0 : index
        %get3A_152 = tpu.vector_load %arg13[%get3A_150, %get3A_151] {strides = array<i32>} : memref<512x16xf32, #tpu.memory_space<vmem>>, vector<1x16xf32>,
        %get3A_153 = vector.shape_cast %get3A_152 : vector<1x16xf32> to vector<16xf32>
        %mul3A_154 = vector.broadcast %squeeze3A_147 : f32 to vector<16xf32>
        %mul3A_155 = arith.mulf %mul3A_154, %get3A_153 : vector<16xf32>
        %add3A_156 = arith.addf %get3A_2, %mul3A_155 : vector<16xf32>
        %slice3A_157 = vector.extract_strided_slice %mul3A_142 {offsets = [1], sizes = [1], strides = [1]} : vector<16xf32> to vector<1xf32>
        %squeeze3A_158 = vector.extract %slice3A_157[0] : f32 from vector<1xf32>
        %add3A_159 = arith.constant 1 : i32
        %add3A_160 = arith.addi %convert_element_type3A_145, %add3A_159 : i32
        %get3A_161 = arith.index_cast %add3A_160 : i32 to index
        %get3A_162 = arith.constant 0 : index
        %get3A_163 = tpu.vector_load %arg13[%get3A_161, %get3A_162] {strides = array<i32>} : memref<512x16xf32, #tpu.memory_space<vmem>>, vector<1x16xf32>,
        %get3A_164 = vector.shape_cast %get3A_163 : vector<1x16xf32> to vector<16xf32>
        %mul3A_165 = vector.broadcast %squeeze3A_158 : f32 to vector<16xf32>
        %mul3A_166 = arith.mulf %mul3A_165, %get3A_164 : vector<16xf32>
        %add3A_167 = arith.addf %add3A_156, %mul3A_166 : vector<16xf32>
        %slice3A_168 = vector.extract_strided_slice %mul3A_142 {offsets = [2], sizes = [1], strides = [1]} : vector<16xf32> to vector<1xf32>
        %squeeze3A_169 = vector.extract %slice3A_168[0] : f32 from vector<1xf32>
        %add3A_170 = arith.constant 2 : i32
        %add3A_171 = arith.addi %convert_element_type3A_145, %add3A_170 : i32
        %get3A_172 = arith.index_cast %add3A_171 : i32 to index
        %get3A_173 = arith.constant 0 : index
        %get3A_174 = tpu.vector_load %arg13[%get3A_172, %get3A_173] {strides = array<i32>} : memref<512x16xf32, #tpu.memory_space<vmem>>, vector<1x16xf32>,
        %get3A_175 = vector.shape_cast %get3A_174 : vector<1x16xf32> to vector<16xf32>
        %mul3A_176 = vector.broadcast %squeeze3A_169 : f32 to vector<16xf32>
        %mul3A_177 = arith.mulf %mul3A_176, %get3A_175 : vector<16xf32>
        %add3A_178 = arith.addf %add3A_167, %mul3A_177 : vector<16xf32>
        %slice3A_179 = vector.extract_strided_slice %mul3A_142 {offsets = [3], sizes = [1], strides = [1]} : vector<16xf32> to vector<1xf32>
        %squeeze3A_180 = vector.extract %slice3A_179[0] : f32 from vector<1xf32>
        %add3A_181 = arith.constant 3 : i32
        %add3A_182 = arith.addi %convert_element_type3A_145, %add3A_181 : i32
        %get3A_183 = arith.index_cast %add3A_182 : i32 to index
        %get3A_184 = arith.constant 0 : index
        %get3A_185 = tpu.vector_load %arg13[%get3A_183, %get3A_184] {strides = array<i32>} : memref<512x16xf32, #tpu.memory_space<vmem>>, vector<1x16xf32>,
        %get3A_186 = vector.shape_cast %get3A_185 : vector<1x16xf32> to vector<16xf32>
        %mul3A_187 = vector.broadcast %squeeze3A_180 : f32 to vector<16xf32>
        %mul3A_188 = arith.mulf %mul3A_187, %get3A_186 : vector<16xf32>
        %add3A_189 = arith.addf %add3A_178, %mul3A_188 : vector<16xf32>
        %slice3A_190 = vector.extract_strided_slice %mul3A_142 {offsets = [4], sizes = [1], strides = [1]} : vector<16xf32> to vector<1xf32>
        %squeeze3A_191 = vector.extract %slice3A_190[0] : f32 from vector<1xf32>
        %add3A_192 = arith.constant 4 : i32
        %add3A_193 = arith.addi %convert_element_type3A_145, %add3A_192 : i32
        %get3A_194 = arith.index_cast %add3A_193 : i32 to index
        %get3A_195 = arith.constant 0 : index
        %get3A_196 = tpu.vector_load %arg13[%get3A_194, %get3A_195] {strides = array<i32>} : memref<512x16xf32, #tpu.memory_space<vmem>>, vector<1x16xf32>,
        %get3A_197 = vector.shape_cast %get3A_196 : vector<1x16xf32> to vector<16xf32>
        %mul3A_198 = vector.broadcast %squeeze3A_191 : f32 to vector<16xf32>
        %mul3A_199 = arith.mulf %mul3A_198, %get3A_197 : vector<16xf32>
        %add3A_200 = arith.addf %add3A_189, %mul3A_199 : vector<16xf32>
        %slice3A_201 = vector.extract_strided_slice %mul3A_142 {offsets = [5], sizes = [1], strides = [1]} : vector<16xf32> to vector<1xf32>
        %squeeze3A_202 = vector.extract %slice3A_201[0] : f32 from vector<1xf32>
        %add3A_203 = arith.constant 5 : i32
        %add3A_204 = arith.addi %convert_element_type3A_145, %add3A_203 : i32
        %get3A_205 = arith.index_cast %add3A_204 : i32 to index
        %get3A_206 = arith.constant 0 : index
        %get3A_207 = tpu.vector_load %arg13[%get3A_205, %get3A_206] {strides = array<i32>} : memref<512x16xf32, #tpu.memory_space<vmem>>, vector<1x16xf32>,
        %get3A_208 = vector.shape_cast %get3A_207 : vector<1x16xf32> to vector<16xf32>
        %mul3A_209 = vector.broadcast %squeeze3A_202 : f32 to vector<16xf32>
        %mul3A_210 = arith.mulf %mul3A_209, %get3A_208 : vector<16xf32>
        %add3A_211 = arith.addf %add3A_200, %mul3A_210 : vector<16xf32>
        %slice3A_212 = vector.extract_strided_slice %mul3A_142 {offsets = [6], sizes = [1], strides = [1]} : vector<16xf32> to vector<1xf32>
        %squeeze3A_213 = vector.extract %slice3A_212[0] : f32 from vector<1xf32>
        %add3A_214 = arith.constant 6 : i32
        %add3A_215 = arith.addi %convert_element_type3A_145, %add3A_214 : i32
        %get3A_216 = arith.index_cast %add3A_215 : i32 to index
        %get3A_217 = arith.constant 0 : index
        %get3A_218 = tpu.vector_load %arg13[%get3A_216, %get3A_217] {strides = array<i32>} : memref<512x16xf32, #tpu.memory_space<vmem>>, vector<1x16xf32>,
        %get3A_219 = vector.shape_cast %get3A_218 : vector<1x16xf32> to vector<16xf32>
        %mul3A_220 = vector.broadcast %squeeze3A_213 : f32 to vector<16xf32>
        %mul3A_221 = arith.mulf %mul3A_220, %get3A_219 : vector<16xf32>
        %add3A_222 = arith.addf %add3A_211, %mul3A_221 : vector<16xf32>
        %slice3A_223 = vector.extract_strided_slice %mul3A_142 {offsets = [7], sizes = [1], strides = [1]} : vector<16xf32> to vector<1xf32>
        %squeeze3A_224 = vector.extract %slice3A_223[0] : f32 from vector<1xf32>
        %add3A_225 = arith.constant 7 : i32
        %add3A_226 = arith.addi %convert_element_type3A_145, %add3A_225 : i32
        %get3A_227 = arith.index_cast %add3A_226 : i32 to index
        %get3A_228 = arith.constant 0 : index
        %get3A_229 = tpu.vector_load %arg13[%get3A_227, %get3A_228] {strides = array<i32>} : memref<512x16xf32, #tpu.memory_space<vmem>>, vector<1x16xf32>,
        %get3A_230 = vector.shape_cast %get3A_229 : vector<1x16xf32> to vector<16xf32>
        %mul3A_231 = vector.broadcast %squeeze3A_224 : f32 to vector<16xf32>
        %mul3A_232 = arith.mulf %mul3A_231, %get3A_230 : vector<16xf32>
        %add3A_233 = arith.addf %add3A_222, %mul3A_232 : vector<16xf32>
        %swap3A_234 = arith.index_cast %scan3A_133 : i32 to index
        %swap3A_235 = arith.constant 0 : index
        %swap3A_236 = tpu.vector_load %arg12[%swap3A_234, %swap3A_235] {strides = array<i32>} : memref<128x16xf32, #tpu.memory_space<vmem>>, vector<1x16xf32>,
        %swap3A_237 = vector.shape_cast %swap3A_236 : vector<1x16xf32> to vector<16xf32>
        %swap3A_238 = vector.shape_cast %add3A_233 : vector<16xf32> to vector<1x16xf32>
        tpu.vector_store %arg12[%swap3A_234, %swap3A_235], %swap3A_238 {strides = array<i32>} : memref<128x16xf32, #tpu.memory_space<vmem>>, vector<1x16xf32>,
      }
      %scan3A_29 = arith.constant 128 : i32
      "tpu.region"() ({
        %run_scoped3A = tpu.sem_alloc : memref<!tpu.dma_semaphore, #tpu.memory_space<semaphore_mem>>
        %dma_start3A_30 = arith.constant 0 : i32
        %dma_start3A_31 = tpu.memref_slice %arg7[%multiple_of3A, %dma_start3A_30] : memref<802816x16xf32, #tpu.memory_space<hbm>> -> memref<128x16xf32, #tpu.memory_space<hbm>>
        %dma_start3A_32 = arith.constant 0 : i32
        %dma_start3A_33 = tpu.memref_slice %arg7[%multiple_of3A, %dma_start3A_32] : memref<802816x16xf32, #tpu.memory_space<hbm>> -> memref<128x16xf32, #tpu.memory_space<hbm>>
        tpu.enqueue_dma source(%arg12 : memref<128x16xf32, #tpu.memory_space<vmem>>) target(%dma_start3A_33 : memref<128x16xf32, #tpu.memory_space<hbm>>) target_semaphore(%run_scoped3A : memref<!tpu.dma_semaphore, #tpu.memory_space<semaphore_mem>>)
        %dma_wait3A_34 = arith.constant 0 : i32
        %dma_wait3A_35 = tpu.memref_slice %arg7[%multiple_of3A, %dma_wait3A_34] : memref<802816x16xf32, #tpu.memory_space<hbm>> -> memref<128x16xf32, #tpu.memory_space<hbm>>
        %dma_wait3A_36 = arith.constant 0 : i32
        %dma_wait3A_37 = tpu.memref_slice %arg7[%multiple_of3A, %dma_wait3A_36] : memref<802816x16xf32, #tpu.memory_space<hbm>> -> memref<128x16xf32, #tpu.memory_space<hbm>>
        tpu.wait_dma2 semaphore(%run_scoped3A : memref<!tpu.dma_semaphore, #tpu.memory_space<semaphore_mem>>) src(%arg12 : memref<128x16xf32, #tpu.memory_space<vmem>>) dst(%dma_wait3A_37 : memref<128x16xf32, #tpu.memory_space<hbm>>)
        tpu.yield
      }) : () -> ()
    }
    %scan3A_9 = arith.constant 196 : i32
    return
  }
}

module attributes {stable_mosaic.version = 14 : i64} {
  func.func @_mtable_body(%arg0: memref<512x1xf32, #tpu.memory_space<vmem>>, %arg1: memref<1x32xf32, #tpu.memory_space<vmem>>, %arg2: memref<1x32xf32, #tpu.memory_space<vmem>>, %arg3: memref<32x32xf32, #tpu.memory_space<vmem>>, %arg4: memref<1x32xf32, #tpu.memory_space<vmem>>, %arg5: memref<32x8xf32, #tpu.memory_space<vmem>>, %arg6: memref<1x8xf32, #tpu.memory_space<vmem>>, %arg7: memref<8x16xf32, #tpu.memory_space<vmem>>, %arg8: memref<512x16xf32, #tpu.memory_space<vmem>>) attributes {dimension_semantics = [], scalar_prefetch = 0 : i64, scratch_operands = 0 : i64, tpu.core_type = #tpu.core_type<tc>} {
    %get3A = arith.constant 0 : index
    %get3A_0 = arith.constant 0 : index
    %get3A_1 = vector.load %arg0[%get3A, %get3A_0] : memref<512x1xf32, #tpu.memory_space<vmem>>, vector<512x1xf32>
    %get3A_2 = arith.constant 0 : index
    %get3A_3 = arith.constant 0 : index
    %get3A_4 = vector.load %arg1[%get3A_2, %get3A_3] : memref<1x32xf32, #tpu.memory_space<vmem>>, vector<1x32xf32>
    %mul3A = vector.broadcast %get3A_1 : vector<512x1xf32> to vector<512x32xf32>
    %mul3A_5 = vector.broadcast %get3A_4 : vector<1x32xf32> to vector<512x32xf32>
    %mul3A_6 = arith.mulf %mul3A, %mul3A_5 : vector<512x32xf32>
    %get3A_7 = arith.constant 0 : index
    %get3A_8 = arith.constant 0 : index
    %get3A_9 = vector.load %arg2[%get3A_7, %get3A_8] : memref<1x32xf32, #tpu.memory_space<vmem>>, vector<1x32xf32>
    %add3A = vector.broadcast %get3A_9 : vector<1x32xf32> to vector<512x32xf32>
    %add3A_10 = arith.addf %mul3A_6, %add3A : vector<512x32xf32>
    %max3A = arith.constant 0.000000e+00 : f32
    %max3A_11 = vector.broadcast %max3A : f32 to vector<512x32xf32>
    %max3A_12 = arith.maximumf %add3A_10, %max3A_11 : vector<512x32xf32>
    %get3A_13 = arith.constant 0 : index
    %get3A_14 = arith.constant 0 : index
    %get3A_15 = vector.load %arg3[%get3A_13, %get3A_14] : memref<32x32xf32, #tpu.memory_space<vmem>>, vector<32x32xf32>
    %dot_general3A = arith.constant dense<0.000000e+00> : vector<512x32xf32>
    %dot_general3A_16 = tpu.matmul %max3A_12, %get3A_15, %dot_general3A {dimension_numbers = #tpu.dot_dimension_numbers<[1], [0], [0], [1], [0, 0, 1, 1], [], []>, transpose_lhs_hint = false} : vector<512x32xf32>, vector<32x32xf32>, vector<512x32xf32> -> vector<512x32xf32>
    %get3A_17 = arith.constant 0 : index
    %get3A_18 = arith.constant 0 : index
    %get3A_19 = vector.load %arg4[%get3A_17, %get3A_18] : memref<1x32xf32, #tpu.memory_space<vmem>>, vector<1x32xf32>
    %add3A_20 = vector.broadcast %get3A_19 : vector<1x32xf32> to vector<512x32xf32>
    %add3A_21 = arith.addf %dot_general3A_16, %add3A_20 : vector<512x32xf32>
    %max3A_22 = arith.constant 0.000000e+00 : f32
    %max3A_23 = vector.broadcast %max3A_22 : f32 to vector<512x32xf32>
    %max3A_24 = arith.maximumf %add3A_21, %max3A_23 : vector<512x32xf32>
    %get3A_25 = arith.constant 0 : index
    %get3A_26 = arith.constant 0 : index
    %get3A_27 = vector.load %arg5[%get3A_25, %get3A_26] : memref<32x8xf32, #tpu.memory_space<vmem>>, vector<32x8xf32>
    %dot_general3A_28 = arith.constant dense<0.000000e+00> : vector<512x8xf32>
    %dot_general3A_29 = tpu.matmul %max3A_24, %get3A_27, %dot_general3A_28 {dimension_numbers = #tpu.dot_dimension_numbers<[1], [0], [0], [1], [0, 0, 1, 1], [], []>, transpose_lhs_hint = false} : vector<512x32xf32>, vector<32x8xf32>, vector<512x8xf32> -> vector<512x8xf32>
    %get3A_30 = arith.constant 0 : index
    %get3A_31 = arith.constant 0 : index
    %get3A_32 = vector.load %arg6[%get3A_30, %get3A_31] : memref<1x8xf32, #tpu.memory_space<vmem>>, vector<1x8xf32>
    %add3A_33 = vector.broadcast %get3A_32 : vector<1x8xf32> to vector<512x8xf32>
    %add3A_34 = arith.addf %dot_general3A_29, %add3A_33 : vector<512x8xf32>
    %get3A_35 = arith.constant 0 : index
    %get3A_36 = arith.constant 0 : index
    %get3A_37 = vector.load %arg7[%get3A_35, %get3A_36] : memref<8x16xf32, #tpu.memory_space<vmem>>, vector<8x16xf32>
    %dot_general3A_38 = arith.constant dense<0.000000e+00> : vector<512x16xf32>
    %dot_general3A_39 = tpu.matmul %add3A_34, %get3A_37, %dot_general3A_38 {dimension_numbers = #tpu.dot_dimension_numbers<[1], [0], [0], [1], [0, 0, 1, 1], [], []>, transpose_lhs_hint = false} : vector<512x8xf32>, vector<8x16xf32>, vector<512x16xf32> -> vector<512x16xf32>
    %swap3A = arith.constant 0 : index
    %swap3A_40 = arith.constant 0 : index
    %swap3A_41 = vector.load %arg8[%swap3A, %swap3A_40] : memref<512x16xf32, #tpu.memory_space<vmem>>, vector<512x16xf32>
    tpu.vector_store %arg8[%swap3A, %swap3A_40], %dot_general3A_39 {strides = array<i32>} : memref<512x16xf32, #tpu.memory_space<vmem>>, vector<512x16xf32>,
    return
  }
}

</mosaic_0001>

<sc_bundles>
// kernel: kernel.4.cloned.1.call-start
scs
__scs_entry_jumppad:
0x0: {  	(pc) =	sbr.rel $0x88, $3  }
0x1: {  	(tag) =	ssettag $0x0;
	lr =	simm.s32 $0x1  }
0x2: {  	[smem:$0x3F95] =	sst lr;
	_ =	strace $0xD0000000  }
0x3: {  	_ = 	snop  }
0x4: {  	_ = 	snop  }
0x5: {  	_ = 	snop  }
0x6: {  	_ = 	snop  }
0x7: {  	_ = 	snop  }
__scs_overlays_trampoline_lowered:
0x8: {  	[smem:$0x3FA4] =	sst s0  }
0x9: {  	[smem:$0x3FA5] =	sst s1  }
0xa: {  	[smem:$0x3FA6] =	sst s2  }
0xb: {  	[smem:$0x3FA7] =	sst s3  }
0xc: {  	[smem:$0x3FA8] =	sst s4  }
0xd: {  	[smem:$0x3FA9] =	sst s5  }
0xe: {  	[smem:$0x3FAA] =	sst s6  }
0xf: {  	[smem:$0x3FAB] =	sst s7  }
0x10: {  	[smem:$0x3FAC] =	sst s8  }
0x11: {  	[smem:$0x3FAD] =	sst s9;
	s0 =	simm.s32 @!p0 $0x0  }
0x12: {  	s1 =	sld [smem:$0x3F93];
	s0 =	simm.s32 @p0 $0x1  }
0x13: {  	[smem:$0x3FAE] =	sst s0;
	s0 =	simm.s32 @!p1 $0x0  }
0x14: {  	s2 =	sld [smem:$0x3F92];
	s0 =	simm.s32 @p1 $0x1  }
0x15: {  	[smem:$0x3FAF] =	sst s0;
	s0 =	simm.s32 @!p2 $0x0  }
0x16: {  	s3 =	sld [smem:$0x3FDB];
	s0 =	simm.s32 @p2 $0x1  }
0x17: {  	s4 =	simm.s32 $0x1BF5;
	[smem:$0x3FB1] =	sst s0  }
0x18: {  	s0 =	sld [smem:$0x3F94];
	_ =	swait.ge [sflag:s4], $0x0  }
0x19: {  	s7 =	sld [smem:$0x3F95]  }
0x1a: {  	s8 =	sadd.s32 $0xFFFFE003, lr  }
0x1b: {  	s9 =	sadd.s32 $0xFFFFFEF7, lr;
	s5 =	simm.s32 $0xFFFFFFFF;
	p2 =	slt.u32 s8, $0xFFFFF086  }
0x1c: {  	p1 =	slt.u32 s9, $0xF7A;
	s5 =	simm.s32 @!p2 $0x0  }
0x1d: {  	s5 =	simm.s32 @p1 $0x1;
	p0 =	seq.s32 s7, s2  }
0x1e: {  	s7 =	smul.u32 @!p0 $0xF7A, s2;
	p2 =	seq.s32 @!p0 s5, $0x0  }
0x1f: {  	s9 =	smul.u32 $0xF7A, s1;
	s8 =	simm.s32 @!p0 $0x1BF5;
	p2 =	por !p2, p0  }
0x20: {  	[sflag:s8] =	ssyncset.s32 @!p0 $0xFFFFF086;
	s6 =	sadd.s32 @!p0 s3, s7;
	s7 =	simm.s32 @!p0 $0x108  }
0x21: {  	s3 =	sadd.s32 s3, s9;
	s6 =	sadd.s32 @!p0 $0x88, s6;
	s7 =	simm.s32 @p2 $0x1082  }
0x22: {  	[simem:s7], [sflag:s8] =	dma.local @!p0 [hbm:s6], $0xF7A  }
0x23: {  	s9 =	sor.u32 $0xD0000000, s2;
	s6 =	simm.s32 $0x108;
	_ =	swait.ge @!p0 [sflag:s8], $0x0  }
0x24: {  	s3 =	sadd.s32 $0x88, s3;
	s6 =	simm.s32 @!p1 $0x1082;
	[sflag:s4] =	ssyncset.s32 $0xFFFFF086  }
0x25: {  	[simem:s6], [sflag:s4] =	dma.local [hbm:s3], $0xF7A  }
0x26: {  	[smem:$0x3F95] =	sst s1;
	(tag) =	ssettag s2;
	_ =	strace s9  }
0x27: {  	s1 =	sld [smem:$0x3FA5]  }
0x28: {  	s2 =	sld [smem:$0x3FA6]  }
0x29: {  	s4 =	sld [smem:$0x3FA8]  }
0x2a: {  	p0 =	seq.s32 s5, $0x0;
	s5 =	sld [smem:$0x3FA9]  }
0x2b: {  	s6 =	sld [smem:$0x3FAA]  }
0x2c: {  	s7 =	sld [smem:$0x3FAB]  }
0x2d: {  	s3 =	simm.s32 $0x108;
	s8 =	sld [smem:$0x3FAC]  }
0x2e: {  	s3 =	simm.s32 @!p0 $0x1082;
	s9 =	sld [smem:$0x3FAD]  }
0x2f: {  	lr =	sadd.s32 s0, s3;
	s0 =	sld [smem:$0x3FA4]  }
0x30: {  	s3 =	sld [smem:$0x3FA7]  }
0x31: {  	[smem:$0x3FB0] =	sst s10  }
0x32: {  	s10 =	sld [smem:$0x3FAE];
	_ =	sdelay $0x3  }
0x33: {  	p0 =	seq.s32 s10, $0x1;
	s10 =	sld [smem:$0x3FB0];
	_ =	sdelay $0x3  }
0x34: {  	[smem:$0x3FB0] =	sst s10  }
0x35: {  	s10 =	sld [smem:$0x3FAF];
	_ =	sdelay $0x3  }
0x36: {  	p1 =	seq.s32 s10, $0x1;
	s10 =	sld [smem:$0x3FB0];
	_ =	sdelay $0x3  }
0x37: {  	[smem:$0x3FB0] =	sst s10  }
0x38: {  	s10 =	sld [smem:$0x3FB1]  }
0x39: {  	_ = 	snop;
	(pc) =	sbr.ind lr, $3  }
0x3a: {  	_ = 	snop  }
0x3b: {  	_ = 	snop  }
0x3c: {  	p2 =	seq.s32 s10, $0x1;
	s10 =	sld [smem:$0x3FB0]  }
0x3d: {  	_ =	shalt  }
0x3e: {  	_ =	shalt  }
0x3f: {  	_ =	shalt  }
0x40: {  	_ =	shalt  }
0x41: {  	_ =	shalt  }
0x42: {  	_ =	shalt  }
0x43: {  	_ =	shalt  }
0x44: {  	_ =	shalt  }
0x45: {  	_ =	shalt  }
0x46: {  	_ =	shalt  }
0x47: {  	_ =	shalt  }
0x48: {  	_ =	shalt  }
0x49: {  	_ =	shalt  }
0x4a: {  	_ =	shalt  }
0x4b: {  	_ =	shalt  }
0x4c: {  	_ =	shalt  }
0x4d: {  	_ =	shalt  }
0x4e: {  	_ =	shalt  }
0x4f: {  	_ =	shalt  }
0x50: {  	_ =	shalt  }
0x51: {  	_ =	shalt  }
0x52: {  	_ =	shalt  }
0x53: {  	_ =	shalt  }
0x54: {  	_ =	shalt  }
0x55: {  	_ =	shalt  }
0x56: {  	_ =	shalt  }
0x57: {  	_ =	shalt  }
0x58: {  	_ =	shalt  }
0x59: {  	_ =	shalt  }
0x5a: {  	_ =	shalt  }
0x5b: {  	_ =	shalt  }
0x5c: {  	_ =	shalt  }
0x5d: {  	_ =	shalt  }
0x5e: {  	_ =	shalt  }
0x5f: {  	_ =	shalt  }
0x60: {  	_ =	shalt  }
0x61: {  	_ =	shalt  }
0x62: {  	_ =	shalt  }
0x63: {  	_ =	shalt  }
0x64: {  	_ =	shalt  }
0x65: {  	_ =	shalt  }
0x66: {  	_ =	shalt  }
0x67: {  	_ =	shalt  }
0x68: {  	_ =	shalt  }
0x69: {  	_ =	shalt  }
0x6a: {  	_ =	shalt  }
0x6b: {  	_ =	shalt  }
0x6c: {  	_ =	shalt  }
0x6d: {  	_ =	shalt  }
0x6e: {  	_ =	shalt  }
0x6f: {  	_ =	shalt  }
0x70: {  	_ =	shalt  }
0x71: {  	_ =	shalt  }
0x72: {  	_ =	shalt  }
0x73: {  	_ =	shalt  }
0x74: {  	_ =	shalt  }
0x75: {  	_ =	shalt  }
0x76: {  	_ =	shalt  }
0x77: {  	_ =	shalt  }
0x78: {  	_ =	shalt  }
0x79: {  	_ =	shalt  }
0x7a: {  	_ =	shalt  }
0x7b: {  	_ =	shalt  }
0x7c: {  	_ =	shalt  }
0x7d: {  	_ =	shalt  }
0x7e: {  	_ =	shalt  }
0x7f: {  	_ =	shalt  }
0x80: {  	_ =	shalt  }
0x81: {  	_ =	shalt  }
0x82: {  	_ =	shalt  }
0x83: {  	_ =	shalt  }
0x84: {  	_ =	shalt  }
0x85: {  	_ =	shalt  }
0x86: {  	_ =	shalt  }
0x87: {  	_ =	shalt  }
.Lfunc_end0:
.L_simem_size_0:
called_computation.1_lowered:
.L_overlay_start_0:
0x88: {  	s2 =	sld [smem:$0x3FD9]  }
0x89: {  	s3 =	sld [smem:$0x3FFE];
	_ =	sdelay $0x1  }
0x8a: {  	s1 =	srdreg.scid  }
0x8b: {  	s0 =	sand.u32 $0x1, s1  }
0x8c: {  	s17 =	sshll.u32 s0, $0xA;
	s2 =	sadd.s32 s3, s2  }
0x8d: {  	s2 =	sadd.s32 s2, s17  }
0x8e: {  	[smem:$0x3FBC] =	sst s2  }
0x8f: {  	_ = 	snop  }
0x90: {  	s2 =	sld [smem:$0x3FBE]  }
0x91: {  	s18 =	sld [smem:$0x3FD0];
	(tm) =	ssettm $0x1  }
0x92: {  	s4 =	sld [smem:$0x3FFB];
	_ =	sdelay $0x3  }
0x93: {  	_ =	strace s4  }
0x94: {  	s4 =	sld [smem:$0x3FFC];
	_ =	sdelay $0x3  }
0x95: {  	_ =	strace s4  }
0x96: {  	s4 =	sld [smem:$0x3FFD];
	_ =	sdelay $0x3  }
0x97: {  	_ =	strace s4  }
0x98: {  	_ =	strace $0x8FFFFFFF  }
0x99: {  	s19 =	sld [smem:$0x3FDB];
	_ =	sdelay $0x1  }
0x9a: {  	s5 =	simm.s32 $_scs_section_size  }
0x9b: {  	s6 =	simm.s32 $_size__tile_overlayer_lowered;
	s7 =	simm.s32 $_tile_overlayer_lowered  }
0x9c: {  	s22 =	simm.s32 $0x1BFF;
	s21 =	sshll.u32 s7, $0x1;
	s4 =	sadd.s32 s5, s19  }
0x9d: {  	s8 =	simm.s32 $0x0;
	s20 =	sshll.u32 s6, $0x1;
	s6 =	sadd.s32 s21, s4  }
0x9e: {  	[timem:s8], [sflag:s22] =	dma.local [hbm:s6], s20  }
0x9f: {  	_ =	swait.ge [sflag:s22], s20  }
0xa0: {  	s5 =	ssub.s32 $0x0, s20;
	[sflag:s22] =	ssyncset.done $0x0  }
0xa1: {  	[sflag:s22] =	ssyncadd.s32 s5;
	_ =	sdelay $0x1  }
0xa2: {  	s23 =	simm.s32 $0x1B8B  }
0xa3: {  	_ =	swait.ge [sflag:s23], $0x1  }
0xa4: {  	[sflag:s23] =	ssyncset.done $0x0  }
0xa5: {  	s25 =	simm.s32 $0x1B8E;
	s24 =	sld [smem:$0x3FFE];
	[sflag:s23] =	ssyncadd.s32 $0xFFFFFFFF  }
0xa6: {  	s26 =	simm.s32 $execute0_lowered;
	[smem:$0x3FD2] =	sst s25  }
0xa7: {  	s6 =	sshll.u32 s26, $0x1;
	_ =	strace $0x80000046;
	[dreg:$0x1] =	wrdreg $0xFFFFFFFF  }
0xa8: {  	s28 =	simm.s32 $_size_execute0_lowered;
	s4 =	sadd.s32 s4, s6;
	[dreg:$0x0] =	wrdreg $0x0  }
0xa9: {  	s6 =	sshll.u32 s28, $0x1;
	[dreg:$0x2] =	wrdreg s4  }
0xaa: {  	[dreg:$0x3] =	wrdreg s6  }
0xab: {  	[dreg:$0x4] =	wrdreg $0xC0  }
0xac: {  	_ =	task [dreg:s8], $0x5FFFF  }
0xad: {  	[dreg:$0x1] =	wrdreg $0xFFFFFFFF  }
0xae: {  	[dreg:$0x0] =	wrdreg $0x60  }
0xaf: {  	[dreg:$0x2] =	wrdreg s18  }
0xb0: {  	[dreg:$0x3] =	wrdreg s24  }
0xb1: {  	[dreg:$0x4] =	wrdreg s2  }
0xb2: {  	[dreg:$0x5] =	wrdreg $0x9  }
0xb3: {  	_ =	task.clear_ibuf [dreg:s8], $0x6FFFF;
	_ =	strace $0x90000046  }
0xb4: {  	s29 =	simm.s32 $0x9;
	_ =	strace $0x80000048  }
0xb5: {  	_ =	swait.ge [sflag:s29], $0x1  }
0xb6: {  	[sflag:s29] =	ssyncadd.s32 $0xFFFFFFFF  }
0xb7: {  	_ =	strace $0x90000048  }
0xb8: {  	_ =	sfence  }
0xb9: {  	s30 =	sld [smem:$0x0];
	_ =	sdelay $0x2  }
0xba: {  	s31 =	sshll.u32 s1, $0xD;
	s1 =	sshrl.u32 s1, $0x2  }
0xbb: {  	s3 =	sand.u32 $0x4000, s31;
	s1 =	sadd.s32 s1, s30  }
0xbc: {  	s0 =	sor.u32 s3, s0;
	s1 =	sshll.u32 s1, $0x11  }
0xbd: {  	s0 =	sor.u32 s1, s0  }
0xbe: {  	s0 =	sadd.s32 $0x8F2B, s0  }
0xbf: {  	[sflag:s0] =	ssyncadd.remote.s32 $0x1  }
0xc0: {  	_ =	sfence.sel $0xFFFF  }
0xc1: {  	[dreg:$0x0] =	wrdreg $0xFFFFFFFF;
	(pc) =	sbr.abs _section_cstart, $3  }
0xc2: {  	[dreg:$0x1] =	wrdreg $0xFFFFFFFF  }
0xc3: {  	_ =	task.clear_ibuf [dreg:s8], $0x2FFFF;
	_ =	strace $0x9FFFFFFF  }
0xc4: {  	(tm) =	ssettm $0x7FFFFFFF  }
0xc5: {  	_ =	shalt  }
tec
execute0_lowered:
.L_overlay_start_1:
0x0: {  	(tag) =	ssettag $0x1  }
0x1: {  	s1 =	rddreg [dreg:$0x0]  }
0x2: {  	s8 =	rddreg [dreg:$0x1]  }
0x3: {  	s2 =	rddreg [dreg:$0x2]  }
0x4: {  	s0 =	rddreg [dreg:$0x3]  }
0x5: {  	s3 =	simm.s32 $0x0;
	s4 =	srdreg.scid;
	s13 =	simm.s32 $0x3900  }
0x6: {  	s14 =	simm.s32 $0x80;
	s15 =	simm.s32 $0x100;
	s16 =	simm.s32 $0x900  }
0x7: {  	s17 =	simm.s32 $0x1;
	s18 =	simm.s32 $0x2;
	s19 =	simm.s32 $0x1100  }
0x8: {  	s20 =	simm.s32 $0x0;
	[smem:$0x7FF] =	sst s3;
	s5 =	sadd.s32 $0x1000, s8  }
0x9: {  	s9 =	sand.u32 $0x1, s4;
	s6 =	sadd.s32 $0x19800, s8;
	s4 =	stileid.u32  }
0xa: {  	s7 =	sadd.s32 $0xC00, s8;
	s8 =	sadd.s32 $0x32000, s8;
	s10 =	ssub.s32 $0x2, s9  }
0xb: {  	_ =	strace $0x80000047;
	s12 =	sshll.u32 s4, $0x1;
	s11 =	sshrl.u32 s10, $0x1  }
0xc: {  	s9 =	sor.u32 s9, s12;
	s12 =	simm.s32 $0x3;
	s10 =	ssub.s32 s10, s11  }
0xd: {  	s9 =	smul.u32 $0x6200, s9;
	s11 =	simm.s32 $0x1900;
	s10 =	smax.u32 s10, $0x1  }
.LBB2_1:
0xe: {  	[tilespmem:s11], [sflag:$0x3] =	stream.linear.gather [hbm4b:s7+s3], $0x2000, $0x38;
	[tilespmem:$0x3910] =	vst v63  }
0xf: {  	_ =	swait.ge [sflag:s12], $0x2000  }
0x10: {  	[sflag:s12] =	ssyncset.done $0x0  }
0x11: {  	[sflag:s12] =	ssyncadd.s32 $0xFFFFE000  }
0x12: {  	[tilespmem:s13], [sflag:$0x3] =	stream.linear.gather [hbm4b:s2+s3], $0x10, $0x38;
	[tilespmem:$0x3910] =	vst v63  }
0x13: {  	_ =	swait.ge [sflag:s12], $0x10  }
0x14: {  	[sflag:s12] =	ssyncset.done $0x0  }
0x15: {  	[sflag:s12] =	ssyncadd.s32 $0xFFFFFFF0  }
0x16: {  	s21 =	simm.s32 $0x0;
	v0 =	vld [tilespmem:$0x3900]  }
.LBB2_2:
0x17: {  	s22 =	sshll.u32 s21, $0x7  }
0x18: {  	s22 =	sadd.s32 s9, s22  }
0x19: {  	s23 =	sshrl.u32 s22, $0x3  }
0x1a: {  	s24 =	sadd.s32 s1, s23  }
0x1b: {  	[tilespmem:s3], [sflag:$0x3] =	stream.linear.gather [hbm4b:s24+s3], $0x80, $0x38;
	[tilespmem:$0x3910] =	vst v63  }
0x1c: {  	_ =	swait.ge [sflag:s12], $0x80  }
0x1d: {  	[sflag:s12] =	ssyncset.done $0x0  }
0x1e: {  	s23 =	sadd.s32 s5, s23;
	[sflag:s12] =	ssyncadd.s32 $0xFFFFFF80  }
0x1f: {  	[tilespmem:s14], [sflag:$0x3] =	stream.linear.gather [hbm4b:s23+s3], $0x80, $0x38;
	[tilespmem:$0x3910] =	vst v63  }
0x20: {  	_ =	swait.ge [sflag:s12], $0x80  }
0x21: {  	[sflag:s12] =	ssyncset.done $0x0  }
0x22: {  	[sflag:s12] =	ssyncadd.s32 $0xFFFFFF80  }
0x23: {  	[tilespmem:s15], [sflag:$0x1] =	stream.indirect.gather [hbm4b:s6+s14], $0x10, s3, s14, $0xb8;
	[tilespmem:$0x3910] =	vst v63  }
0x24: {  	_ = 	snop  }
0x25: {  	[tilespmem:s16], [sflag:$0x2] =	stream.indirect.gather [hbm4b:s6+s14], $0x10, s14, s14, $0xb8;
	[tilespmem:$0x3910] =	vst v63  }
0x26: {  	_ =	swait.ge [sflag:s17], $0x800  }
0x27: {  	[sflag:s17] =	ssyncset.done $0x0  }
0x28: {  	[sflag:s17] =	ssyncadd.s32 $0xFFFFF800  }
0x29: {  	_ =	swait.ge [sflag:s18], $0x800  }
0x2a: {  	[sflag:s18] =	ssyncset.done $0x0  }
0x2b: {  	s25 =	simm.s32 $0x110;
	[sflag:s18] =	ssyncadd.s32 $0xFFFFF800  }
0x2c: {  	v1 =	vld [tilespmem:s25+$0xFFFFFFF0];
	_ =	sdelay $0x4  }
0x2d: {  	(v2sf) =	vpush v1, $0x8;
	_ =	sdelay $0xe  }
0x2e: {  	s23 =	simm.s32 $0x910;
	s30 =	spop (v2sf)  }
0x2f: {  	v2 =	vld [tilespmem:s23+$0xFFFFFFF0];
	s24 =	scvt.f32.s32 s30;
	_ =	sdelay $0x1  }
0x30: {  	s24 =	sshll.u32 s24, $0x6  }
0x31: {  	s24 =	sshra.s32 s24, $0x2  }
0x32: {  	v3 =	vld [tilespmem:s24+$0x1900]  }
0x33: {  	v1 =	vmul.f32 v2, v1  }
0x34: {  	v2 =	vld [tilespmem:s24+$0x1910]  }
0x35: {  	v4 =	vbroadcast v1, $0x0  }
0x36: {  	v5 =	vld [tilespmem:s24+$0x1920]  }
0x37: {  	v42 =	vbroadcast v1, $0x1;
	v3 =	vmul.f32 v4, v3  }
0x38: {  	v6 =	vld [tilespmem:s24+$0x1930]  }
0x39: {  	v43 =	vbroadcast v1, $0x2;
	v2 =	vmul.f32 v2, v42;
	v3 =	vadd.f32 v3, v0  }
0x3a: {  	v7 =	vld [tilespmem:s24+$0x1940]  }
0x3b: {  	v44 =	vbroadcast v1, $0x3;
	v2 =	vadd.f32 v3, v2;
	v3 =	vmul.f32 v5, v43  }
0x3c: {  	v45 =	vld [tilespmem:s24+$0x1950]  }
0x3d: {  	v46 =	vbroadcast v1, $0x4;
	v2 =	vadd.f32 v2, v3;
	v3 =	vmul.f32 v6, v44  }
0x3e: {  	v47 =	vld [tilespmem:s24+$0x1960]  }
0x3f: {  	v48 =	vbroadcast v1, $0x5;
	v2 =	vadd.f32 v2, v3;
	v3 =	vmul.f32 v7, v46  }
0x40: {  	v49 =	vld [tilespmem:s24+$0x1970]  }
0x41: {  	v50 =	vbroadcast v1, $0x6;
	v2 =	vadd.f32 v2, v3;
	v3 =	vmul.f32 v45, v48;
	_ =	sdelay $0x1  }
0x42: {  	v1 =	vbroadcast v1, $0x7;
	v2 =	vadd.f32 v2, v3;
	v3 =	vmul.f32 v47, v50;
	_ =	sdelay $0x1  }
0x43: {  	v1 =	vmul.f32 v49, v1;
	v2 =	vadd.f32 v2, v3;
	_ =	sdelay $0x1  }
0x44: {  	v1 =	vadd.f32 v2, v1  }
0x45: {  	s24 =	simm.s32 $0x1110  }
0x46: {  	[tilespmem:s24+$0xFFFFFFF0] =	vst v1  }
0x47: {  	v1 =	vld [tilespmem:s25+$0x0];
	_ =	sdelay $0x4  }
0x48: {  	(v2sf) =	vpush v1, $0x8;
	_ =	sdelay $0xe  }
0x49: {  	s31 =	spop (v2sf)  }
0x4a: {  	v2 =	vld [tilespmem:s23+$0x0];
	s25 =	scvt.f32.s32 s31;
	_ =	sdelay $0x1  }
0x4b: {  	s25 =	sshll.u32 s25, $0x6  }
0x4c: {  	s25 =	sshra.s32 s25, $0x2  }
0x4d: {  	v3 =	vld [tilespmem:s25+$0x1900]  }
0x4e: {  	v1 =	vmul.f32 v2, v1  }
0x4f: {  	v2 =	vld [tilespmem:s25+$0x1910]  }
0x50: {  	v51 =	vbroadcast v1, $0x0  }
0x51: {  	v52 =	vld [tilespmem:s25+$0x1920]  }
0x52: {  	v53 =	vbroadcast v1, $0x1;
	v3 =	vmul.f32 v51, v3  }
0x53: {  	v54 =	vld [tilespmem:s25+$0x1930]  }
0x54: {  	v55 =	vbroadcast v1, $0x2;
	v2 =	vmul.f32 v2, v53;
	v3 =	vadd.f32 v3, v0  }
0x55: {  	v56 =	vld [tilespmem:s25+$0x1940]  }
0x56: {  	v57 =	vbroadcast v1, $0x3;
	v2 =	vadd.f32 v3, v2;
	v3 =	vmul.f32 v52, v55  }
0x57: {  	v58 =	vld [tilespmem:s25+$0x1950]  }
0x58: {  	v59 =	vbroadcast v1, $0x4;
	v2 =	vadd.f32 v2, v3;
	v3 =	vmul.f32 v54, v57  }
0x59: {  	v60 =	vld [tilespmem:s25+$0x1960]  }
0x5a: {  	v61 =	vbroadcast v1, $0x5;
	v2 =	vadd.f32 v2, v3;
	v3 =	vmul.f32 v56, v59  }
0x5b: {  	v62 =	vld [tilespmem:s25+$0x1970]  }
0x5c: {  	v63 =	vbroadcast v1, $0x6;
	v2 =	vadd.f32 v2, v3;
	v3 =	vmul.f32 v58, v61;
	_ =	sdelay $0x1  }
0x5d: {  	v1 =	vbroadcast v1, $0x7;
	v2 =	vadd.f32 v2, v3;
	v3 =	vmul.f32 v60, v63;
	_ =	sdelay $0x1  }
0x5e: {  	v1 =	vmul.f32 v62, v1;
	v2 =	vadd.f32 v2, v3;
	_ =	sdelay $0x1  }
0x5f: {  	v1 =	vadd.f32 v2, v1  }
0x60: {  	s26 =	simm.s32 $0x130;
	s25 =	simm.s32 $0x0  }
.LBB2_3:
0x61: {  	s25 =	sadd.s32 $0x2, s25;
	[tilespmem:s24+$0x0] =	vst v1;
	s24 =	sadd.s32 $0x20, s24;
	s23 =	sadd.s32 $0x20, s23  }
0x62: {  	v1 =	vld [tilespmem:s26+$0xFFFFFFF0];
	p0 =	slt.u32 s25, $0x7E;
	_ =	sdelay $0x4  }
0x63: {  	(v2sf) =	vpush v1, $0x8;
	_ =	sdelay $0xe  }
0x64: {  	s28 =	spop (v2sf)  }
0x65: {  	v2 =	vld [tilespmem:s23+$0xFFFFFFF0];
	s28 =	scvt.f32.s32 s28;
	_ =	sdelay $0x1  }
0x66: {  	s28 =	sshll.u32 s28, $0x6  }
0x67: {  	s28 =	sshra.s32 s28, $0x2  }
0x68: {  	v3 =	vld [tilespmem:s28+$0x1900]  }
0x69: {  	v1 =	vmul.f32 v2, v1  }
0x6a: {  	v2 =	vld [tilespmem:s28+$0x1910]  }
0x6b: {  	v4 =	vbroadcast v1, $0x0  }
0x6c: {  	v5 =	vld [tilespmem:s28+$0x1920]  }
0x6d: {  	v3 =	vmul.f32 v4, v3;
	v4 =	vbroadcast v1, $0x1  }
0x6e: {  	v6 =	vld [tilespmem:s28+$0x1930]  }
0x6f: {  	v3 =	vadd.f32 v3, v0;
	v2 =	vmul.f32 v2, v4;
	v4 =	vbroadcast v1, $0x2  }
0x70: {  	v7 =	vld [tilespmem:s28+$0x1940]  }
0x71: {  	v2 =	vadd.f32 v3, v2;
	v3 =	vmul.f32 v5, v4;
	v4 =	vbroadcast v1, $0x3  }
0x72: {  	v5 =	vld [tilespmem:s28+$0x1950]  }
0x73: {  	v2 =	vadd.f32 v2, v3;
	v3 =	vmul.f32 v6, v4;
	v4 =	vbroadcast v1, $0x4  }
0x74: {  	v6 =	vld [tilespmem:s28+$0x1960]  }
0x75: {  	v2 =	vadd.f32 v2, v3;
	v3 =	vmul.f32 v7, v4;
	v4 =	vbroadcast v1, $0x5  }
0x76: {  	v7 =	vld [tilespmem:s28+$0x1970]  }
0x77: {  	v2 =	vadd.f32 v2, v3;
	v3 =	vmul.f32 v5, v4;
	v4 =	vbroadcast v1, $0x6;
	_ =	sdelay $0x1  }
0x78: {  	v1 =	vbroadcast v1, $0x7;
	v2 =	vadd.f32 v2, v3;
	v3 =	vmul.f32 v6, v4;
	_ =	sdelay $0x1  }
0x79: {  	v2 =	vadd.f32 v2, v3;
	v1 =	vmul.f32 v7, v1;
	_ =	sdelay $0x1  }
0x7a: {  	v1 =	vadd.f32 v2, v1;
	_ =	sdelay $0x1  }
0x7b: {  	[tilespmem:s24+$0xFFFFFFF0] =	vst v1  }
0x7c: {  	v1 =	vld [tilespmem:s26+$0x0];
	_ =	sdelay $0x4  }
0x7d: {  	(v2sf) =	vpush v1, $0x8;
	_ =	sdelay $0xe  }
0x7e: {  	s28 =	spop (v2sf)  }
0x7f: {  	v2 =	vld [tilespmem:s23+$0x0];
	s28 =	scvt.f32.s32 s28;
	_ =	sdelay $0x1  }
0x80: {  	s28 =	sshll.u32 s28, $0x6  }
0x81: {  	s28 =	sshra.s32 s28, $0x2  }
0x82: {  	v3 =	vld [tilespmem:s28+$0x1900]  }
0x83: {  	v1 =	vmul.f32 v2, v1;
	v2 =	vld [tilespmem:s28+$0x1910]  }
0x84: {  	v4 =	vld [tilespmem:s28+$0x1920]  }
0x85: {  	v5 =	vbroadcast v1, $0x0;
	v6 =	vld [tilespmem:s28+$0x1930]  }
0x86: {  	v7 =	vld [tilespmem:s28+$0x1940]  }
0x87: {  	v3 =	vmul.f32 v5, v3;
	v5 =	vbroadcast v1, $0x1;
	v8 =	vld [tilespmem:s28+$0x1950]  }
0x88: {  	v9 =	vld [tilespmem:s28+$0x1960]  }
0x89: {  	v3 =	vadd.f32 v3, v0;
	v2 =	vmul.f32 v2, v5;
	v5 =	vbroadcast v1, $0x2;
	v10 =	vld [tilespmem:s28+$0x1970];
	_ =	sdelay $0x1  }
0x8a: {  	v2 =	vadd.f32 v3, v2;
	v3 =	vmul.f32 v4, v5;
	v4 =	vbroadcast v1, $0x3;
	_ =	sdelay $0x1  }
0x8b: {  	v2 =	vadd.f32 v2, v3;
	v3 =	vmul.f32 v6, v4;
	v4 =	vbroadcast v1, $0x4;
	_ =	sdelay $0x1  }
0x8c: {  	v2 =	vadd.f32 v2, v3;
	v3 =	vmul.f32 v7, v4;
	v4 =	vbroadcast v1, $0x5;
	_ =	sdelay $0x1  }
0x8d: {  	v2 =	vadd.f32 v2, v3;
	v3 =	vmul.f32 v8, v4;
	v4 =	vbroadcast v1, $0x6;
	_ =	sdelay $0x1  }
0x8e: {  	v1 =	vbroadcast v1, $0x7;
	v2 =	vadd.f32 v2, v3;
	v3 =	vmul.f32 v9, v4  }
.Ltmp0:
0x8f: {  	(pc) =	sbr.rel @p0 .LBB2_3-.Ltmp0, $3  }
0x90: {  	v1 =	vmul.f32 v10, v1;
	v2 =	vadd.f32 v2, v3;
	_ =	sdelay $0x1  }
0x91: {  	v1 =	vadd.f32 v2, v1  }
0x92: {  	s26 =	sadd.s32 $0x20, s26  }
0x93: {  	s21 =	sadd.s32 $0x1, s21  }
0x94: {  	s22 =	sshll.u32 s22, $0x1;
	p0 =	sne.s32 s21, $0xC4  }
.Ltmp1:
0x95: {  	[tilespmem:s24+$0x0] =	vst v1;
	s22 =	sadd.s32 s8, s22;
	(pc) =	sbr.rel @p0 .LBB2_2-.Ltmp1, $4  }
0x96: {  	[hbm4b:s22+s3] =	stream.linear.scatter [tilespmem:s19], [sflag:$0x3], $0x800, $0x38;
	[tilespmem:$0x3910] =	vst v63  }
0x97: {  	_ =	swait.ge [sflag:s12], $0x800  }
0x98: {  	[sflag:s12] =	ssyncset.done $0x0  }
0x99: {  	[sflag:s12] =	ssyncadd.s32 $0xFFFFF800  }
0x9a: {  	s20 =	sadd.s32 $0x1, s20  }
0x9b: {  	p0 =	sne.s32 s20, s10  }
.Ltmp2:
0x9c: {  	_ = 	snop;
	(pc) =	sbr.rel @p0 .LBB2_1-.Ltmp2, $1  }
0x9d: {  	_ =	sdelay $0x3  }
0x9e: {  	_ =	sfence.sel $0x180000  }
0x9f: {  	[bflag:$0x0] =	sbarrier.arrive $0xFFFF  }
0xa0: {  	p0 =	sne.s32 s4, $0x0;
	_ =	strace $0x90000047  }
0xa1: {  	s0 =	sadd.s32 @!p0 $0x100000, s0;
	[bflag:$0x2] =	sbarrier.arrive $0xFFFF  }
0xa2: {  	[sflag:s0] =	ssyncadd.tile.s32 @!p0 $0x1;
	_ =	shalt  }
.Lfunc_end2:
_tile_overlayer_lowered:
.L_overlay_start_2:
0xa3: {  	(tag) =	ssettag $0x2  }
0xa4: {  	s0 =	rddreg [dreg:$0x0];
	s2 =	stileid.u32  }
0xa5: {  	s1 =	rddreg [dreg:$0x1];
	p0 =	sne.s32 s2, $0x0  }
0xa6: {  	s3 =	rddreg [dreg:$0x2];
	[bflag:$0x3] =	sbarrier.arrive $0xFFFF;
	s2 =	simm.s32 @!p0 $0x1C03  }
0xa7: {  	[timem:s3], [sflag:s2] =	dma.local @!p0 [hbm:s0], s1  }
0xa8: {  	s0 =	simm.s32 @!p0 $0x3  }
0xa9: {  	_ =	swait.ge @!p0 [sflag:s0], s1  }
0xaa: {  	s1 =	ssub.s32 @!p0 $0x0, s1;
	[sflag:s0] =	ssyncset.done @!p0 $0x0  }
0xab: {  	[sflag:s0] =	ssyncadd.s32 @!p0 s1  }
0xac: {  	[bflag:$0x3] =	sbarrier.arrive $0xFFFF  }
0xad: {  	_ =	shalt  }

// kernel: sparse-core-data-format-call.cloned.1.call-start
scs
called_computation_lowered:
.L_overlay_start_0:
0x0: {  	s2 =	sld [smem:$0x3FD9]  }
0x1: {  	s3 =	sld [smem:$0x3FFE];
	_ =	sdelay $0x1  }
0x2: {  	s1 =	srdreg.scid  }
0x3: {  	s0 =	sand.u32 $0x1, s1  }
0x4: {  	s18 =	sshll.u32 s0, $0xA;
	s2 =	sadd.s32 s3, s2  }
0x5: {  	s2 =	sadd.s32 s2, s18  }
0x6: {  	[smem:$0x3FBC] =	sst s2  }
0x7: {  	_ = 	snop  }
0x8: {  	s2 =	sld [smem:$0x3FD0];
	(tm) =	ssettm $0x1  }
0x9: {  	s19 =	sld [smem:$0x3FFB];
	_ =	sdelay $0x3  }
0xa: {  	_ =	strace s19  }
0xb: {  	s3 =	sld [smem:$0x3FFC];
	_ =	sdelay $0x3  }
0xc: {  	_ =	strace s3  }
0xd: {  	s3 =	sld [smem:$0x3FFD];
	_ =	sdelay $0x3  }
0xe: {  	_ =	strace s3  }
0xf: {  	_ =	strace $0x8FFFFFFF  }
0x10: {  	s20 =	sld [smem:$0x3FDB];
	_ =	sdelay $0x1  }
0x11: {  	s4 =	simm.s32 $_scs_section_size  }
0x12: {  	s5 =	simm.s32 $_size__tile_overlayer_lowered;
	s6 =	simm.s32 $_tile_overlayer_lowered  }
0x13: {  	s23 =	simm.s32 $0x1BFF;
	s22 =	sshll.u32 s6, $0x1;
	s3 =	sadd.s32 s4, s20  }
0x14: {  	s7 =	simm.s32 $0x0;
	s21 =	sshll.u32 s5, $0x1;
	s5 =	sadd.s32 s22, s3  }
0x15: {  	[timem:s7], [sflag:s23] =	dma.local [hbm:s5], s21  }
0x16: {  	_ =	swait.ge [sflag:s23], s21  }
0x17: {  	s4 =	ssub.s32 $0x0, s21;
	[sflag:s23] =	ssyncset.done $0x0  }
0x18: {  	[sflag:s23] =	ssyncadd.s32 s4;
	_ =	sdelay $0x1  }
0x19: {  	s24 =	simm.s32 $0x1B8B  }
0x1a: {  	_ =	swait.ge [sflag:s24], $0x1  }
0x1b: {  	[sflag:s24] =	ssyncset.done $0x0  }
0x1c: {  	s26 =	simm.s32 $0x1B8E;
	s25 =	sld [smem:$0x3FFE];
	[sflag:s24] =	ssyncadd.s32 $0xFFFFFFFF  }
0x1d: {  	s27 =	simm.s32 $execute0_lowered;
	[smem:$0x3FD2] =	sst s26  }
0x1e: {  	s5 =	sshll.u32 s27, $0x1;
	_ =	strace $0x80000049;
	[dreg:$0x1] =	wrdreg $0xFFFFFFFF  }
0x1f: {  	s28 =	simm.s32 $_size_execute0_lowered;
	s3 =	sadd.s32 s3, s5;
	[dreg:$0x0] =	wrdreg $0x0  }
0x20: {  	s5 =	sshll.u32 s28, $0x1;
	[dreg:$0x2] =	wrdreg s3  }
0x21: {  	[dreg:$0x3] =	wrdreg s5  }
0x22: {  	[dreg:$0x4] =	wrdreg $0xC0  }
0x23: {  	_ =	task [dreg:s7], $0x5FFFF  }
0x24: {  	[dreg:$0x1] =	wrdreg $0xFFFFFFFF  }
0x25: {  	[dreg:$0x0] =	wrdreg $0x60  }
0x26: {  	[dreg:$0x2] =	wrdreg s25  }
0x27: {  	[dreg:$0x3] =	wrdreg s2  }
0x28: {  	[dreg:$0x4] =	wrdreg $0x9  }
0x29: {  	_ =	task.clear_ibuf [dreg:s7], $0x5FFFF;
	_ =	strace $0x90000049  }
0x2a: {  	s29 =	simm.s32 $0x9;
	_ =	strace $0x8000004B  }
0x2b: {  	_ =	swait.ge [sflag:s29], $0x1  }
0x2c: {  	[sflag:s29] =	ssyncadd.s32 $0xFFFFFFFF  }
0x2d: {  	_ =	strace $0x9000004B  }
0x2e: {  	_ =	sfence  }
0x2f: {  	s30 =	sld [smem:$0x0];
	_ =	sdelay $0x2  }
0x30: {  	s31 =	sshll.u32 s1, $0xD;
	s1 =	sshrl.u32 s1, $0x2  }
0x31: {  	s3 =	sand.u32 $0x4000, s31;
	s1 =	sadd.s32 s1, s30  }
0x32: {  	s0 =	sor.u32 s3, s0;
	s1 =	sshll.u32 s1, $0x11  }
0x33: {  	s0 =	sor.u32 s1, s0  }
0x34: {  	s0 =	sadd.s32 $0x8F2B, s0  }
0x35: {  	[sflag:s0] =	ssyncadd.remote.s32 $0x1  }
0x36: {  	_ =	sfence.sel $0xFFFF  }
0x37: {  	[dreg:$0x0] =	wrdreg $0xFFFFFFFF;
	(pc) =	sbr.abs _section_cstart, $3  }
0x38: {  	[dreg:$0x1] =	wrdreg $0xFFFFFFFF  }
0x39: {  	_ =	task.clear_ibuf [dreg:s7], $0x2FFFF;
	_ =	strace $0x9FFFFFFF  }
0x3a: {  	(tm) =	ssettm $0x7FFFFFFF  }
0x3b: {  	_ =	shalt  }
tec
execute0_lowered:
.L_overlay_start_1:
0x0: {  	(tag) =	ssettag $0x1  }
0x1: {  	s0 =	srdreg.scid  }
0x2: {  	s1 =	sshll.u32 s0, $0x4  }
0x3: {  	s4 =	rddreg [dreg:$0x0];
	s0 =	stileid.u32;
	s1 =	sand.u32 $0x10, s1  }
0x4: {  	s2 =	rddreg [dreg:$0x1];
	s7 =	simm.s32 $0x1;
	s1 =	sor.u32 s0, s1  }
0x5: {  	s8 =	simm.s32 $0x2;
	s11 =	simm.s32 $0x0;
	s3 =	sshll.u32 s1, $0x7  }
0x6: {  	s10 =	simm.s32 $0x0;
	s4 =	sadd.s32 $0xDFA000, s4;
	s6 =	ssub.s32 $0xC3500, s3  }
.Ltmp0:
0x7: {  	s1 =	rddreg [dreg:$0x2];
	s5 =	sand.u32 $0xF80, s6;
	(pc) =	sbr.rel .LBB1_1-.Ltmp0, $4  }
0x8: {  	_ =	strace $0x8000004A;
	s9 =	smov.u32 s3;
	p0 =	sne.s32 s5, $0x0  }
0x9: {  	s6 =	sshrl.u32 s6, $0xC;
	s5 =	simm.s32 $0x1;
	s7 =	simm.s32 @!p0 $0x0  }
0xa: {  	[sflag:s5] =	ssyncpa.u1 $0x0;
	p0 =	por $0x0, $0x0;
	s6 =	sadd.s32 s7, s6  }
0xb: {  	[sflag:s8] =	ssyncpa.u1 $0x0;
	s8 =	simm.s32 $0x61A800;
	s7 =	sadd.s32 $0x1, s6  }
.LBB1_4:
0xc: {  	s14 =	sshll.u32 s11, $0x3  }
0xd: {  	s14 =	sand.u32 $0xFFFFFC00, s14  }
0xe: {  	s15 =	sshrl.u32 s14, $0x8  }
0xf: {  	s15 =	smulhi.u32 $0x14F8B59, s15;
	_ =	sdelay $0x1  }
0x10: {  	s15 =	sshrl.u32 s15, $0x4  }
0x11: {  	s28 =	sand.u32 $0x7F, s11;
	s16 =	smul.u32 $0xC3500, s15  }
0x12: {  	[tilespmem:s12+$0xFFFFFFFC ss:$0x81] =	vst.msk $0xffff, v0;
	s11 =	sor.u32 s28, s14  }
0x13: {  	[tilespmem:s12+$0xFFFFFFFD ss:$0x81] =	vst.msk $0xffff, v3;
	s29 =	sand.u32 $0xF, s15;
	s11 =	ssub.s32 s11, s16  }
0x14: {  	[tilespmem:s12+$0xFFFFFFFE ss:$0x81] =	vst.msk $0xffff, v1;
	s14 =	smul.u32 $0x186A0, s29;
	s30 =	sshrl.u32 s11, $0x3;
	s11 =	sand.u32 $0x7, s11  }
0x15: {  	[tilespmem:s12+$0xFFFFFFFF ss:$0x81] =	vst.msk $0xffff, v4;
	s15 =	sadd.s32 s2, s30;
	s11 =	sshll.u32 s11, $0x12  }
0x16: {  	[tilespmem:s12+$0xFFFFFFF9 ss:$0x81] =	vst.msk $0xffff, v2;
	s31 =	sadd.s32 s14, s15;
	s11 =	sor.u32 $0x400, s11  }
0x17: {  	[hbm4b:s31+s11] =	stream.strided.scatter [tilespmem:s13], [sflag:$0x2], $0x800, s8, s11, $0x20;
	[tilespmem:$0x2020] =	vst v63  }
.LBB1_5:
0x18: {  	s13 =	sadd.s32 $0x1000, s9  }
0x19: {  	p2 =	sgt.s32 s13, $0xC34FF  }
0x1a: {  	s13 =	smov.u32 @p2 s3;
	p2 =	sne.s32 s10, s7  }
.Ltmp1:
0x1b: {  	p1 =	slt.u32 s10, $0x2;
	(pc) =	sbr.rel @!p2 .LBB1_6-.Ltmp1, $4  }
0x1c: {  	s12 =	simm.s32 @!p1 $0x2  }
0x1d: {  	s14 =	sadd.s32 $0x1, s10;
	_ =	swait.ge @!p1 [sflag:s12], $0x800  }
0x1e: {  	s11 =	smov.u32 s9;
	p0 =	por !p0, !p0;
	[sflag:s12] =	ssyncset.done @!p1 $0x0  }
0x1f: {  	s10 =	smov.u32 s14;
	s9 =	smov.u32 s13;
	[sflag:s12] =	ssyncadd.s32 @!p1 $0xFFFFF800  }
.LBB1_1:
0x20: {  	p1 =	sge.u32 s10, s6  }
0x21: {  	s12 =	sand.u32 @!p1 $0x1FFFFFF, s9  }
0x22: {  	s13 =	smulhi.u32 @!p1 $0x14F8B59, s12;
	_ =	sdelay $0x1  }
0x23: {  	s13 =	sshrl.u32 @!p1 s13, $0xC  }
0x24: {  	s13 =	smul.u32 @!p1 $0xC3500, s13;
	_ =	sdelay $0x1  }
0x25: {  	s31 =	sadd.s32 $0xFFFFFFFF, s10;
	s14 =	sxor.u32 @!p1 $0xFFFFFFFF, s10;
	s12 =	ssub.s32 @!p1 s12, s13  }
0x26: {  	s15 =	simm.s32 @!p1 $0x80;
	s14 =	sshll.u32 @!p1 s14, $0xB;
	s12 =	sshll.u32 @!p1 s12, $0x4  }
0x27: {  	s13 =	sand.u32 @!p1 $0x800, s14;
	s14 =	simm.s32 @!p1 $0x10;
	s12 =	sadd.s32 @!p1 s4, s12  }
0x28: {  	[tilespmem:s13], [sflag:$0x1] =	stream.strided.gather @!p1 [hbm4b:s12+s14], $0x800, s15, s14, $0x38;
	[tilespmem:$0x2020] =	vst v63  }
0x29: {  	p1 =	sge.u32 s31, s6  }
.Ltmp2:
0x2a: {  	_ = 	snop;
	(pc) =	sbr.rel @p1 .LBB1_5-.Ltmp2, $1  }
0x2b: {  	_ =	sdelay $0x3  }
0x2c: {  	s12 =	simm.s32 $0x1  }
0x2d: {  	_ =	swait.ge [sflag:s5], $0x800;
	s12 =	simm.s32 @!p0 $0x0  }
0x2e: {  	[sflag:s5] =	ssyncset.done $0x0;
	s13 =	sshll.u32 s12, $0xB  }
0x2f: {  	[sflag:s5] =	ssyncadd.s32 $0xFFFFF800;
	s15 =	sor.u32 $0x40, s13  }
0x30: {  	v2 =	vld [tilespmem:s15+$0x30]  }
0x31: {  	s12 =	smul.u32 $0x2040, s12;
	v4 =	vld [tilespmem:s15+$0xFFFFFFD0]  }
0x32: {  	v5 =	vld [tilespmem:s15+$0xFFFFFFE0]  }
0x33: {  	s31 =	sand.u32 $0x1, s10;
	s12 =	sshrl.u32 s12, $0x2;
	v0 =	vld [tilespmem:s15+$0xFFFFFFF0]  }
0x34: {  	s13 =	smul.u32 $0x2040, s31;
	v3 =	vld [tilespmem:s15+$0x0];
	s12 =	sor.u32 $0x1007, s12  }
0x35: {  	v1 =	vld [tilespmem:s15+$0x10];
	[tilespmem:s12+$0x0 ss:$0x81] =	vst.msk $0xffff, v2  }
0x36: {  	s13 =	sshrl.u32 s13, $0x2;
	[tilespmem:s12+$0xFFFFFFFA ss:$0x81] =	vst.msk $0xffff, v4;
	v4 =	vld [tilespmem:s15+$0x20]  }
0x37: {  	s14 =	simm.s32 $0x0;
	s13 =	sor.u32 $0x1000, s13;
	v2 =	vld [tilespmem:s15+$0xFFFFFFC0];
	[tilespmem:s12+$0xFFFFFFFB ss:$0x81] =	vst.msk $0xffff, v5;
	s15 =	sadd.s32 $0x80, s15  }
.LBB1_3:
0x38: {  	v5 =	vld [tilespmem:s15+$0x30];
	s14 =	sadd.s32 $0x8, s14;
	[tilespmem:s12+$0xFFFFFFFC ss:$0x81] =	vst.msk $0xffff, v0  }
0x39: {  	v6 =	vld [tilespmem:s15+$0xFFFFFFD0];
	p1 =	slt.u32 s14, $0x78;
	[tilespmem:s12+$0xFFFFFFFD ss:$0x81] =	vst.msk $0xffff, v3  }
0x3a: {  	v7 =	vld [tilespmem:s15+$0xFFFFFFE0];
	[tilespmem:s12+$0xFFFFFFFE ss:$0x81] =	vst.msk $0xffff, v1  }
.Ltmp3:
0x3b: {  	v0 =	vld [tilespmem:s15+$0xFFFFFFF0];
	[tilespmem:s12+$0xFFFFFFFF ss:$0x81] =	vst.msk $0xffff, v4;
	(pc) =	sbr.rel @p1 .LBB1_3-.Ltmp3, $4  }
0x3c: {  	v3 =	vld [tilespmem:s15+$0x0];
	[tilespmem:s12+$0xFFFFFFF9 ss:$0x81] =	vst.msk $0xffff, v2;
	s12 =	sadd.s32 $0x8, s12  }
0x3d: {  	v1 =	vld [tilespmem:s15+$0x10];
	[tilespmem:s12+$0x0 ss:$0x81] =	vst.msk $0xffff, v5  }
0x3e: {  	[tilespmem:s12+$0xFFFFFFFA ss:$0x81] =	vst.msk $0xffff, v6;
	v4 =	vld [tilespmem:s15+$0x20]  }
0x3f: {  	v2 =	vld [tilespmem:s15+$0xFFFFFFC0];
	[tilespmem:s12+$0xFFFFFFFB ss:$0x81] =	vst.msk $0xffff, v7;
	s15 =	sadd.s32 $0x80, s15  }
.Ltmp4:
0x40: {  	_ = 	snop;
	(pc) =	sbr.rel .LBB1_4-.Ltmp4, $1  }
0x41: {  	_ =	sdelay $0x3  }
.LBB1_6:
0x42: {  	_ =	sfence.sel $0x180000  }
0x43: {  	s2 =	simm.s32 $0x1;
	[bflag:$0x0] =	sbarrier.arrive $0xFFFF  }
0x44: {  	s31 =	simm.s32 $0x2;
	[sflag:s2] =	ssyncpa.u1 $0x1  }
0x45: {  	[sflag:s31] =	ssyncpa.u1 $0x1  }
0x46: {  	p0 =	sne.s32 s0, $0x0;
	_ =	strace $0x9000004A  }
0x47: {  	s0 =	sadd.s32 @!p0 $0x100000, s1;
	[bflag:$0x2] =	sbarrier.arrive $0xFFFF  }
0x48: {  	[sflag:s0] =	ssyncadd.tile.s32 @!p0 $0x1;
	_ =	shalt  }
.Lfunc_end1:
_tile_overlayer_lowered:
.L_overlay_start_2:
0x49: {  	(tag) =	ssettag $0x2  }
0x4a: {  	s0 =	rddreg [dreg:$0x0];
	s2 =	stileid.u32  }
0x4b: {  	s1 =	rddreg [dreg:$0x1];
	p0 =	sne.s32 s2, $0x0  }
0x4c: {  	s3 =	rddreg [dreg:$0x2];
	[bflag:$0x3] =	sbarrier.arrive $0xFFFF;
	s2 =	simm.s32 @!p0 $0x1C01  }
0x4d: {  	[timem:s3], [sflag:s2] =	dma.local @!p0 [hbm:s0], s1  }
0x4e: {  	s0 =	simm.s32 @!p0 $0x1  }
0x4f: {  	_ =	swait.ge @!p0 [sflag:s0], s1  }
0x50: {  	s1 =	ssub.s32 @!p0 $0x0, s1;
	[sflag:s0] =	ssyncset.done @!p0 $0x0  }
0x51: {  	[sflag:s0] =	ssyncadd.s32 @!p0 s1  }
0x52: {  	[bflag:$0x3] =	sbarrier.arrive $0xFFFF  }
0x53: {  	_ =	shalt  }

</sc_bundles>
